<compile_context>
chip_gen: v7x
topology: tpu7x:2x2x1
jax: 0.10.2.dev20260603
libtpu: 0.0.44.dev20260713+nightly
codegen_flags: <defaults>
</compile_context>

<pallas_src>
import functools

import jax
import jax.numpy as jnp
from jax import lax
from jax.experimental import pallas as pl
from jax.experimental.pallas import tpu as pltpu
from jax.experimental.pallas import tpu_sc as plsc

_K = 8192
_D = 32
_T = 8192
_TB = 256
_COST = 0.25

_NC = 2
_NS = 16
_NW = _NC * _NS
_BPW = _T // _NW



def _dist_argmin_body(x_ref, w_ref, xsq_ref, wsq_ref, idx_ref, mind_ref):
    xb = x_ref[...]
    w = w_ref[...]
    xsq = xsq_ref[...]
    wsq = wsq_ref[...]
    m = lax.dot_general(xb, w, (((1,), (1,)), ((), ())),
                        preferred_element_type=jnp.float32)
    d = xsq + wsq - 2.0 * m
    d = jnp.maximum(d, 0.0)
    dmin = jnp.min(d, axis=1, keepdims=True)
    ids = lax.broadcasted_iota(jnp.int32, d.shape, 1)
    idx = jnp.min(jnp.where(d == dmin, ids, _K), axis=1)
    idx_ref[0] = jnp.concatenate(
        [idx.reshape(2, 128), jnp.zeros((6, 128), jnp.int32)], axis=0)
    mind_ref[0] = jnp.concatenate(
        [dmin[:, 0].reshape(2, 128), jnp.zeros((6, 128), jnp.float32)], axis=0)


_k1 = pl.pallas_call(
    _dist_argmin_body,
    grid=(_T // _TB,),
    in_specs=[pl.BlockSpec((_TB, _D), lambda i: (i, 0)),
              pl.BlockSpec((_K, _D), lambda i: (0, 0)),
              pl.BlockSpec((_TB, 1), lambda i: (i, 0)),
              pl.BlockSpec((1, _K), lambda i: (0, 0))],
    out_specs=[pl.BlockSpec((1, 8, 128), lambda i: (i, 0, 0)),
               pl.BlockSpec((1, 8, 128), lambda i: (i, 0, 0))],
    out_shape=[jax.ShapeDtypeStruct((_T // _TB, 8, 128), jnp.int32),
               jax.ShapeDtypeStruct((_T // _TB, 8, 128), jnp.float32)],
)



_sc_mesh = plsc.VectorSubcoreMesh(core_axis_name="c", subcore_axis_name="s")




@functools.partial(
    pl.kernel,
    mesh=_sc_mesh,
    out_type=[jax.ShapeDtypeStruct((_T, 128), jnp.float32),
              jax.ShapeDtypeStruct((_NC, 64, 128), jnp.float32)],
    scratch_types=[
        pltpu.VMEM((2, 128), jnp.int32),
        pltpu.VMEM((_BPW, 128), jnp.float32),
        pltpu.VMEM((64, 128), jnp.float32),
        pltpu.VMEM((64,), jnp.int32),
        pltpu.VMEM_SHARED((64, 128), jnp.float32),
        pltpu.SemaphoreType.DMA,
    ],
    compiler_params=pltpu.CompilerParams(needs_layout_passes=False),
)
def _sc_gather_hist(w_hbm, idx_hbm, rid_hbm, zero_hbm, q_hbm, cnt_hbm,
                    idx_v, rows_v, hist_v, rid_v, shared, sem):
    core = lax.axis_index("c")
    sub = lax.axis_index("s")
    wid = sub * _NC + core
    base = wid * _BPW
    pltpu.sync_copy(idx_hbm.at[pl.ds(wid * 2, 2)], idx_v)
    cp0 = pltpu.async_copy(w_hbm.at[idx_v.at[0]],
                           rows_v.at[pl.ds(0, 128)], sem)
    cp1 = pltpu.async_copy(w_hbm.at[idx_v.at[1]],
                           rows_v.at[pl.ds(128, 128)], sem)
    pltpu.sync_copy(zero_hbm, hist_v)
    pltpu.sync_copy(rid_hbm, rid_v)

    @pl.when(sub == 0)
    def _zero_shared():
        pltpu.sync_copy(zero_hbm, shared)

    cp0.wait()
    cp1.wait()
    pltpu.sync_copy(rows_v, q_hbm.at[pl.ds(base, _BPW)])
    lanes = lax.broadcasted_iota(jnp.int32, (16,), 0)
    ones = jnp.ones((16,), jnp.float32)
    for j in range(2):
        for k in range(8):
            iv = idx_v[j, pl.ds(k * 16, 16)]
            r = lax.shift_right_logical(iv, 7)
            c = lax.bitwise_and(iv, 127)
            for t in range(16):
                plsc.addupdate_scatter(hist_v, [r, c], ones, mask=lanes == t)
    plsc.subcore_barrier()
    pltpu.sync_copy(hist_v, shared.at[rid_v], add=True)
    plsc.subcore_barrier()

    @pl.when(sub == 0)
    def _write_counts():
        pltpu.sync_copy(shared, cnt_hbm.at[core])



def _final_body(mind_ref, cnt_ref, loss_ref, perp_ref):
    mind = mind_ref[...]
    loss_ref[0, 0] = jnp.sum(mind) * ((1.0 + _COST) / (_T * float(_D)))
    c = cnt_ref[...]
    ctot = c[0:64, :] + c[64:128, :]
    p = ctot * (1.0 / _T)
    ent = jnp.sum(p * jnp.log(p + 1e-10))
    perp_ref[0, 0] = jnp.exp(-ent)


_k3 = pl.pallas_call(
    _final_body,
    in_specs=[pl.BlockSpec((256, 128), lambda: (0, 0)),
              pl.BlockSpec((128, 128), lambda: (0, 0))],
    out_specs=[pl.BlockSpec(memory_space=pltpu.SMEM),
               pl.BlockSpec(memory_space=pltpu.SMEM)],
    out_shape=[jax.ShapeDtypeStruct((1, 1), jnp.float32),
               jax.ShapeDtypeStruct((1, 1), jnp.float32)],
)



def kernel(x, W):
    xf = x.reshape(-1, _D)
    xsq = jnp.sum(xf ** 2, axis=1, keepdims=True)
    wsq = jnp.sum(W ** 2, axis=1).reshape(1, _K)
    idx3, mind3 = _k1(xf, W, xsq, wsq)
    idx2 = idx3[:, :2, :].reshape(64, 128)
    w_pad = jnp.pad(W, ((0, 0), (0, 128 - _D)))
    rid = jnp.arange(64, dtype=jnp.int32)
    zero = jnp.zeros((64, 128), jnp.float32)
    q_pad, cnt2 = _sc_gather_hist(w_pad, idx2, rid, zero)
    loss, perp = _k3(mind3.reshape(256, 128), cnt2.reshape(128, 128))
    quantized = q_pad[:, :_D].reshape(x.shape)
    q_st = x + (quantized - x)
    return (q_st, loss.reshape(()), perp.reshape(()), idx2.reshape(-1))

# --- scband reference (transcript-rebuilt; emitter-appended) ---
"""Pipeline reference for scband-hierarchical-quantizer-88708254531960 (READ-ONLY COPY).

The authoritative reference and input builder live on the scoring server;
editing this copy changes nothing except your own understanding.
"""

import jax, jax.numpy as jnp
import numpy as np

NUM_EMBEDDINGS = 8192
EMBEDDING_DIM = 32
COMMITMENT_COST = 0.25


def setup_inputs(seed: int = 0) -> dict:
    key = jax.random.key(seed)
    k1, k2 = jax.random.split(key)
    x = jax.random.normal(k1, (8, 1024, 32), dtype=jnp.float32)
    W = jax.random.uniform(k2, (NUM_EMBEDDINGS, EMBEDDING_DIM),
                           minval=-1.0 / NUM_EMBEDDINGS,
                           maxval=1.0 / NUM_EMBEDDINGS,
                           dtype=jnp.float32)
    return {"x": x, "W": W}


def reference(x, W):
    B, N_tokens, D = x.shape
    x_flat = x.reshape(-1, D)
    # squared L2 distances to every codebook entry
    distances_sq = (jnp.sum(x_flat ** 2, axis=1, keepdims=True)
                    + jnp.sum(W ** 2, axis=1)
                    - 2.0 * jnp.matmul(x_flat, W.T))
    distances_sq = jnp.clip(distances_sq, 0.0, None)
    encoding_indices = jnp.argmin(distances_sq, axis=1)
    quantized_flat = jnp.take(W, encoding_indices, axis=0)
    quantized_output_tokens = quantized_flat.reshape(x.shape)
    codebook_loss_per_token = jnp.mean(
        (quantized_flat - jax.lax.stop_gradient(x_flat)) ** 2, axis=-1
    ).reshape(B, N_tokens)
    commitment_loss_per_token = jnp.mean(
        (x_flat - jax.lax.stop_gradient(quantized_flat)) ** 2, axis=-1
    ).reshape(B, N_tokens)
    per_token_total_vq_loss = codebook_loss_per_token + COMMITMENT_COST * commitment_loss_per_token
    mean_vq_total_loss = jnp.mean(per_token_total_vq_loss)
    quantized_output_tokens_st = x + jax.lax.stop_gradient(quantized_output_tokens - x)
    encodings_one_hot = jax.nn.one_hot(encoding_indices, NUM_EMBEDDINGS, dtype=jnp.float32)
    avg_probs = jnp.mean(encodings_one_hot.reshape(-1, NUM_EMBEDDINGS), axis=0)
    perplexity = jnp.exp(-jnp.sum(avg_probs * jnp.log(avg_probs + 1e-10)))
    return (quantized_output_tokens_st, mean_vq_total_loss, perplexity, encoding_indices)

if __name__ == "__main__":
    import jax
    _d = setup_inputs()
    print(jax.jit(kernel)(*tuple(_d.values())))

</pallas_src>

<mosaic_0001>
#map = affine_map<(d0, d1) -> (0, 0)>
#map1 = affine_map<(d0, d1) -> (0)>
#map2 = affine_map<(d0, d1) -> (0, 0, 0)>
module attributes {stable_mosaic.version = 14 : i64} {
  func.func @_sc_gather_hist(%arg0: i32, %arg1: i32, %arg2: memref<8192x128xf32, #tpu.memory_space<hbm>>, %arg3: memref<64x128xi32, #tpu.memory_space<hbm>>, %arg4: memref<64xi32, #tpu.memory_space<hbm>>, %arg5: memref<64x128xf32, #tpu.memory_space<hbm>>, %arg6: memref<8192x128xf32, #tpu.memory_space<hbm>>, %arg7: memref<2x64x128xf32, #tpu.memory_space<hbm>>, %arg8: memref<2x128xi32, #tpu.memory_space<vmem>>, %arg9: memref<256x128xf32, #tpu.memory_space<vmem>>, %arg10: memref<64x128xf32, #tpu.memory_space<vmem>>, %arg11: memref<64xi32, #tpu.memory_space<vmem>>, %arg12: memref<64x128xf32, #tpu.memory_space<vmem_shared>>, %arg13: memref<!tpu.dma_semaphore, #tpu.memory_space<semaphore_mem>>) attributes {dimension_semantics = [#tpu.dimension_semantics<core_parallel>, #tpu.dimension_semantics<subcore_parallel>], iteration_bounds = array<i64: 2, 16>, scalar_prefetch = 0 : i64, scratch_operands = 6 : i64, tpu.core_type = #tpu.core_type<sc_vector_subcore>, window_params = [{transform_indices = #map}, {transform_indices = #map}, {transform_indices = #map1}, {transform_indices = #map}, {transform_indices = #map}, {transform_indices = #map2}]} {
    %mul3A = arith.constant 2 : i32
    %mul3A_0 = arith.muli %arg1, %mul3A : i32
    %add3A = arith.addi %mul3A_0, %arg0 : i32
    %mul3A_1 = arith.constant 256 : i32
    %mul3A_2 = arith.muli %add3A, %mul3A_1 : i32
    %mul3A_3 = arith.constant 2 : i32
    %mul3A_4 = arith.muli %add3A, %mul3A_3 : i32
    "tpu.region"() ({
      %run_scoped3A = tpu.sem_alloc : memref<!tpu.dma_semaphore, #tpu.memory_space<semaphore_mem>>
      %dma_start3A_977 = arith.constant 0 : i32
      %dma_start3A_978 = tpu.memref_slice %arg3[%mul3A_4, %dma_start3A_977] : memref<64x128xi32, #tpu.memory_space<hbm>> -> memref<2x128xi32, #tpu.memory_space<hbm>>
      %dma_start3A_979 = arith.constant 0 : i32
      %dma_start3A_980 = tpu.memref_slice %arg3[%mul3A_4, %dma_start3A_979] : memref<64x128xi32, #tpu.memory_space<hbm>> -> memref<2x128xi32, #tpu.memory_space<hbm>>
      tpu.enqueue_dma source(%dma_start3A_980 : memref<2x128xi32, #tpu.memory_space<hbm>>) target(%arg8 : memref<2x128xi32, #tpu.memory_space<vmem>>) target_semaphore(%run_scoped3A : memref<!tpu.dma_semaphore, #tpu.memory_space<semaphore_mem>>)
      %dma_wait3A_981 = arith.constant 0 : i32
      %dma_wait3A_982 = tpu.memref_slice %arg3[%mul3A_4, %dma_wait3A_981] : memref<64x128xi32, #tpu.memory_space<hbm>> -> memref<2x128xi32, #tpu.memory_space<hbm>>
      %dma_wait3A_983 = arith.constant 0 : i32
      %dma_wait3A_984 = tpu.memref_slice %arg3[%mul3A_4, %dma_wait3A_983] : memref<64x128xi32, #tpu.memory_space<hbm>> -> memref<2x128xi32, #tpu.memory_space<hbm>>
      tpu.wait_dma2 semaphore(%run_scoped3A : memref<!tpu.dma_semaphore, #tpu.memory_space<semaphore_mem>>) src(%dma_wait3A_984 : memref<2x128xi32, #tpu.memory_space<hbm>>) dst(%arg8 : memref<2x128xi32, #tpu.memory_space<vmem>>)
      tpu.yield
    }) : () -> ()
    %dma_start3A = arith.constant 0 : i32
    %dma_start3A_5 = arith.constant 0 : i32
    %dma_start3A_6 = arith.constant 0 : i32
    %dma_start3A_7 = tpu.memref_slice %arg9[%dma_start3A_5, %dma_start3A_6] : memref<256x128xf32, #tpu.memory_space<vmem>> -> memref<128x128xf32, #tpu.memory_space<vmem>>
    %dma_start3A_8 = arith.constant 0 : i32
    %dma_start3A_9 = tpu.memref_slice %arg8[%dma_start3A, %dma_start3A_8] : memref<2x128xi32, #tpu.memory_space<vmem>> -> memref<1x128xi32, #tpu.memory_space<vmem>>
    %dma_start3A_10 = tpu.memref_squeeze %dma_start3A_9 : memref<1x128xi32, #tpu.memory_space<vmem>> -> memref<128xi32, #tpu.memory_space<vmem>>
    %dma_start3A_11 = arith.constant 0 : i32
    %dma_start3A_12 = arith.constant 0 : i32
    %dma_start3A_13 = tpu.memref_slice %arg2[%dma_start3A_11, %dma_start3A_12] : memref<8192x128xf32, #tpu.memory_space<hbm>> -> memref<8192x128xf32, #tpu.memory_space<hbm>>
    tpu.enqueue_indirect_dma source(%dma_start3A_13 : memref<8192x128xf32, #tpu.memory_space<hbm>>) target(%dma_start3A_7 : memref<128x128xf32, #tpu.memory_space<vmem>>) offsets(%dma_start3A_10 : memref<128xi32, #tpu.memory_space<vmem>>) semaphore(%arg13 : memref<!tpu.dma_semaphore, #tpu.memory_space<semaphore_mem>>)
    %dma_start3A_14 = arith.constant 1 : i32
    %dma_start3A_15 = arith.constant 128 : i32
    %dma_start3A_16 = arith.constant 0 : i32
    %dma_start3A_17 = tpu.memref_slice %arg9[%dma_start3A_15, %dma_start3A_16] : memref<256x128xf32, #tpu.memory_space<vmem>> -> memref<128x128xf32, #tpu.memory_space<vmem>>
    %dma_start3A_18 = arith.constant 0 : i32
    %dma_start3A_19 = tpu.memref_slice %arg8[%dma_start3A_14, %dma_start3A_18] : memref<2x128xi32, #tpu.memory_space<vmem>> -> memref<1x128xi32, #tpu.memory_space<vmem>>
    %dma_start3A_20 = tpu.memref_squeeze %dma_start3A_19 : memref<1x128xi32, #tpu.memory_space<vmem>> -> memref<128xi32, #tpu.memory_space<vmem>>
    %dma_start3A_21 = arith.constant 0 : i32
    %dma_start3A_22 = arith.constant 0 : i32
    %dma_start3A_23 = tpu.memref_slice %arg2[%dma_start3A_21, %dma_start3A_22] : memref<8192x128xf32, #tpu.memory_space<hbm>> -> memref<8192x128xf32, #tpu.memory_space<hbm>>
    tpu.enqueue_indirect_dma source(%dma_start3A_23 : memref<8192x128xf32, #tpu.memory_space<hbm>>) target(%dma_start3A_17 : memref<128x128xf32, #tpu.memory_space<vmem>>) offsets(%dma_start3A_20 : memref<128xi32, #tpu.memory_space<vmem>>) semaphore(%arg13 : memref<!tpu.dma_semaphore, #tpu.memory_space<semaphore_mem>>)
    "tpu.region"() ({
      %run_scoped3A = tpu.sem_alloc : memref<!tpu.dma_semaphore, #tpu.memory_space<semaphore_mem>>
      tpu.enqueue_dma source(%arg5 : memref<64x128xf32, #tpu.memory_space<hbm>>) target(%arg10 : memref<64x128xf32, #tpu.memory_space<vmem>>) target_semaphore(%run_scoped3A : memref<!tpu.dma_semaphore, #tpu.memory_space<semaphore_mem>>)
      tpu.wait_dma2 semaphore(%run_scoped3A : memref<!tpu.dma_semaphore, #tpu.memory_space<semaphore_mem>>) src(%arg5 : memref<64x128xf32, #tpu.memory_space<hbm>>) dst(%arg10 : memref<64x128xf32, #tpu.memory_space<vmem>>)
      tpu.yield
    }) : () -> ()
    "tpu.region"() ({
      %run_scoped3A = tpu.sem_alloc : memref<!tpu.dma_semaphore, #tpu.memory_space<semaphore_mem>>
      tpu.enqueue_dma source(%arg4 : memref<64xi32, #tpu.memory_space<hbm>>) target(%arg11 : memref<64xi32, #tpu.memory_space<vmem>>) target_semaphore(%run_scoped3A : memref<!tpu.dma_semaphore, #tpu.memory_space<semaphore_mem>>)
      tpu.wait_dma2 semaphore(%run_scoped3A : memref<!tpu.dma_semaphore, #tpu.memory_space<semaphore_mem>>) src(%arg4 : memref<64xi32, #tpu.memory_space<hbm>>) dst(%arg11 : memref<64xi32, #tpu.memory_space<vmem>>)
      tpu.yield
    }) : () -> ()
    %eq3A = arith.constant 0 : i32
    %eq3A_24 = arith.cmpi eq, %arg1, %eq3A : i32
    %convert_element_type3A = arith.extui %eq3A_24 : i1 to i32
    %cond3A = arith.constant 0 : i32
    %cond3A_25 = arith.cmpi ne, %convert_element_type3A, %cond3A : i32
    scf.if %cond3A_25 {
      "tpu.region"() ({
        %run_scoped3A = tpu.sem_alloc : memref<!tpu.dma_semaphore, #tpu.memory_space<semaphore_mem>>
        tpu.enqueue_dma source(%arg5 : memref<64x128xf32, #tpu.memory_space<hbm>>) target(%arg12 : memref<64x128xf32, #tpu.memory_space<vmem_shared>>) target_semaphore(%run_scoped3A : memref<!tpu.dma_semaphore, #tpu.memory_space<semaphore_mem>>)
        tpu.wait_dma2 semaphore(%run_scoped3A : memref<!tpu.dma_semaphore, #tpu.memory_space<semaphore_mem>>) src(%arg5 : memref<64x128xf32, #tpu.memory_space<hbm>>) dst(%arg12 : memref<64x128xf32, #tpu.memory_space<vmem_shared>>)
        tpu.yield
      }) : () -> ()
    } else {
    }
    %dma_wait3A = arith.constant 0 : i32
    %dma_wait3A_26 = arith.constant 0 : i32
    %dma_wait3A_27 = arith.constant 0 : i32
    %dma_wait3A_28 = tpu.memref_slice %arg9[%dma_wait3A_26, %dma_wait3A_27] : memref<256x128xf32, #tpu.memory_space<vmem>> -> memref<128x128xf32, #tpu.memory_space<vmem>>
    %dma_wait3A_29 = arith.constant 0 : i32
    %dma_wait3A_30 = tpu.memref_slice %arg8[%dma_wait3A, %dma_wait3A_29] : memref<2x128xi32, #tpu.memory_space<vmem>> -> memref<1x128xi32, #tpu.memory_space<vmem>>
    %dma_wait3A_31 = tpu.memref_squeeze %dma_wait3A_30 : memref<1x128xi32, #tpu.memory_space<vmem>> -> memref<128xi32, #tpu.memory_space<vmem>>
    %dma_wait3A_32 = arith.constant 0 : i32
    %dma_wait3A_33 = arith.constant 0 : i32
    %dma_wait3A_34 = tpu.memref_slice %arg2[%dma_wait3A_32, %dma_wait3A_33] : memref<8192x128xf32, #tpu.memory_space<hbm>> -> memref<8192x128xf32, #tpu.memory_space<hbm>>
    tpu.wait_indirect_dma semaphore(%arg13 : memref<!tpu.dma_semaphore, #tpu.memory_space<semaphore_mem>>) src(%dma_wait3A_34 : memref<8192x128xf32, #tpu.memory_space<hbm>>) dst(%dma_wait3A_28 : memref<128x128xf32, #tpu.memory_space<vmem>>)
    %dma_wait3A_35 = arith.constant 1 : i32
    %dma_wait3A_36 = arith.constant 128 : i32
    %dma_wait3A_37 = arith.constant 0 : i32
    %dma_wait3A_38 = tpu.memref_slice %arg9[%dma_wait3A_36, %dma_wait3A_37] : memref<256x128xf32, #tpu.memory_space<vmem>> -> memref<128x128xf32, #tpu.memory_space<vmem>>
    %dma_wait3A_39 = arith.constant 0 : i32
    %dma_wait3A_40 = tpu.memref_slice %arg8[%dma_wait3A_35, %dma_wait3A_39] : memref<2x128xi32, #tpu.memory_space<vmem>> -> memref<1x128xi32, #tpu.memory_space<vmem>>
    %dma_wait3A_41 = tpu.memref_squeeze %dma_wait3A_40 : memref<1x128xi32, #tpu.memory_space<vmem>> -> memref<128xi32, #tpu.memory_space<vmem>>
    %dma_wait3A_42 = arith.constant 0 : i32
    %dma_wait3A_43 = arith.constant 0 : i32
    %dma_wait3A_44 = tpu.memref_slice %arg2[%dma_wait3A_42, %dma_wait3A_43] : memref<8192x128xf32, #tpu.memory_space<hbm>> -> memref<8192x128xf32, #tpu.memory_space<hbm>>
    tpu.wait_indirect_dma semaphore(%arg13 : memref<!tpu.dma_semaphore, #tpu.memory_space<semaphore_mem>>) src(%dma_wait3A_44 : memref<8192x128xf32, #tpu.memory_space<hbm>>) dst(%dma_wait3A_38 : memref<128x128xf32, #tpu.memory_space<vmem>>)
    "tpu.region"() ({
      %run_scoped3A = tpu.sem_alloc : memref<!tpu.dma_semaphore, #tpu.memory_space<semaphore_mem>>
      %dma_start3A_977 = arith.constant 0 : i32
      %dma_start3A_978 = tpu.memref_slice %arg6[%mul3A_2, %dma_start3A_977] : memref<8192x128xf32, #tpu.memory_space<hbm>> -> memref<256x128xf32, #tpu.memory_space<hbm>>
      %dma_start3A_979 = arith.constant 0 : i32
      %dma_start3A_980 = tpu.memref_slice %arg6[%mul3A_2, %dma_start3A_979] : memref<8192x128xf32, #tpu.memory_space<hbm>> -> memref<256x128xf32, #tpu.memory_space<hbm>>
      tpu.enqueue_dma source(%arg9 : memref<256x128xf32, #tpu.memory_space<vmem>>) target(%dma_start3A_980 : memref<256x128xf32, #tpu.memory_space<hbm>>) target_semaphore(%run_scoped3A : memref<!tpu.dma_semaphore, #tpu.memory_space<semaphore_mem>>)
      %dma_wait3A_981 = arith.constant 0 : i32
      %dma_wait3A_982 = tpu.memref_slice %arg6[%mul3A_2, %dma_wait3A_981] : memref<8192x128xf32, #tpu.memory_space<hbm>> -> memref<256x128xf32, #tpu.memory_space<hbm>>
      %dma_wait3A_983 = arith.constant 0 : i32
      %dma_wait3A_984 = tpu.memref_slice %arg6[%mul3A_2, %dma_wait3A_983] : memref<8192x128xf32, #tpu.memory_space<hbm>> -> memref<256x128xf32, #tpu.memory_space<hbm>>
      tpu.wait_dma2 semaphore(%run_scoped3A : memref<!tpu.dma_semaphore, #tpu.memory_space<semaphore_mem>>) src(%arg9 : memref<256x128xf32, #tpu.memory_space<vmem>>) dst(%dma_wait3A_984 : memref<256x128xf32, #tpu.memory_space<hbm>>)
      tpu.yield
    }) : () -> ()
    %iota3A = tpu.iota {dimensions = array<i32: 0>} : vector<16xi32>
    %broadcast_in_dim3A = arith.constant 1.000000e+00 : f32
    %broadcast_in_dim3A_45 = vector.broadcast %broadcast_in_dim3A : f32 to vector<16xf32>
    %get3A = arith.constant 0 : i32
    %get3A_46 = arith.index_cast %get3A : i32 to index
    %get3A_47 = arith.constant 0 : index
    %get3A_48 = tpu.vector_load %arg8[%get3A_46, %get3A_47] {strides = array<i32>} : memref<2x128xi32, #tpu.memory_space<vmem>>, vector<16xi32>,
    %shift_right_logical3A = arith.constant 7 : i32
    %shift_right_logical3A_49 = vector.broadcast %shift_right_logical3A : i32 to vector<16xi32>
    %shift_right_logical3A_50 = arith.shrui %get3A_48, %shift_right_logical3A_49 : vector<16xi32>
    %and3A = arith.constant 127 : i32
    %and3A_51 = vector.broadcast %and3A : i32 to vector<16xi32>
    %and3A_52 = arith.andi %get3A_48, %and3A_51 : vector<16xi32>
    %eq3A_53 = arith.constant 0 : i32
    %eq3A_54 = vector.broadcast %eq3A_53 : i32 to vector<16xi32>
    %eq3A_55 = arith.cmpi eq, %iota3A, %eq3A_54 : vector<16xi32>
    tpu.vector_store_idx %arg10[%shift_right_logical3A_50, %and3A_52], %broadcast_in_dim3A_45 masked %eq3A_55 {add = true} : memref<64x128xf32, #tpu.memory_space<vmem>>[vector<16xi32>, vector<16xi32>], vector<16xf32>, vector<16xi1>
    %eq3A_56 = arith.constant 1 : i32
    %eq3A_57 = vector.broadcast %eq3A_56 : i32 to vector<16xi32>
    %eq3A_58 = arith.cmpi eq, %iota3A, %eq3A_57 : vector<16xi32>
    tpu.vector_store_idx %arg10[%shift_right_logical3A_50, %and3A_52], %broadcast_in_dim3A_45 masked %eq3A_58 {add = true} : memref<64x128xf32, #tpu.memory_space<vmem>>[vector<16xi32>, vector<16xi32>], vector<16xf32>, vector<16xi1>
    %eq3A_59 = arith.constant 2 : i32
    %eq3A_60 = vector.broadcast %eq3A_59 : i32 to vector<16xi32>
    %eq3A_61 = arith.cmpi eq, %iota3A, %eq3A_60 : vector<16xi32>
    tpu.vector_store_idx %arg10[%shift_right_logical3A_50, %and3A_52], %broadcast_in_dim3A_45 masked %eq3A_61 {add = true} : memref<64x128xf32, #tpu.memory_space<vmem>>[vector<16xi32>, vector<16xi32>], vector<16xf32>, vector<16xi1>
    %eq3A_62 = arith.constant 3 : i32
    %eq3A_63 = vector.broadcast %eq3A_62 : i32 to vector<16xi32>
    %eq3A_64 = arith.cmpi eq, %iota3A, %eq3A_63 : vector<16xi32>
    tpu.vector_store_idx %arg10[%shift_right_logical3A_50, %and3A_52], %broadcast_in_dim3A_45 masked %eq3A_64 {add = true} : memref<64x128xf32, #tpu.memory_space<vmem>>[vector<16xi32>, vector<16xi32>], vector<16xf32>, vector<16xi1>
    %eq3A_65 = arith.constant 4 : i32
    %eq3A_66 = vector.broadcast %eq3A_65 : i32 to vector<16xi32>
    %eq3A_67 = arith.cmpi eq, %iota3A, %eq3A_66 : vector<16xi32>
    tpu.vector_store_idx %arg10[%shift_right_logical3A_50, %and3A_52], %broadcast_in_dim3A_45 masked %eq3A_67 {add = true} : memref<64x128xf32, #tpu.memory_space<vmem>>[vector<16xi32>, vector<16xi32>], vector<16xf32>, vector<16xi1>
    %eq3A_68 = arith.constant 5 : i32
    %eq3A_69 = vector.broadcast %eq3A_68 : i32 to vector<16xi32>
    %eq3A_70 = arith.cmpi eq, %iota3A, %eq3A_69 : vector<16xi32>
    tpu.vector_store_idx %arg10[%shift_right_logical3A_50, %and3A_52], %broadcast_in_dim3A_45 masked %eq3A_70 {add = true} : memref<64x128xf32, #tpu.memory_space<vmem>>[vector<16xi32>, vector<16xi32>], vector<16xf32>, vector<16xi1>
    %eq3A_71 = arith.constant 6 : i32
    %eq3A_72 = vector.broadcast %eq3A_71 : i32 to vector<16xi32>
    %eq3A_73 = arith.cmpi eq, %iota3A, %eq3A_72 : vector<16xi32>
    tpu.vector_store_idx %arg10[%shift_right_logical3A_50, %and3A_52], %broadcast_in_dim3A_45 masked %eq3A_73 {add = true} : memref<64x128xf32, #tpu.memory_space<vmem>>[vector<16xi32>, vector<16xi32>], vector<16xf32>, vector<16xi1>
    %eq3A_74 = arith.constant 7 : i32
    %eq3A_75 = vector.broadcast %eq3A_74 : i32 to vector<16xi32>
    %eq3A_76 = arith.cmpi eq, %iota3A, %eq3A_75 : vector<16xi32>
    tpu.vector_store_idx %arg10[%shift_right_logical3A_50, %and3A_52], %broadcast_in_dim3A_45 masked %eq3A_76 {add = true} : memref<64x128xf32, #tpu.memory_space<vmem>>[vector<16xi32>, vector<16xi32>], vector<16xf32>, vector<16xi1>
    %eq3A_77 = arith.constant 8 : i32
    %eq3A_78 = vector.broadcast %eq3A_77 : i32 to vector<16xi32>
    %eq3A_79 = arith.cmpi eq, %iota3A, %eq3A_78 : vector<16xi32>
    tpu.vector_store_idx %arg10[%shift_right_logical3A_50, %and3A_52], %broadcast_in_dim3A_45 masked %eq3A_79 {add = true} : memref<64x128xf32, #tpu.memory_space<vmem>>[vector<16xi32>, vector<16xi32>], vector<16xf32>, vector<16xi1>
    %eq3A_80 = arith.constant 9 : i32
    %eq3A_81 = vector.broadcast %eq3A_80 : i32 to vector<16xi32>
    %eq3A_82 = arith.cmpi eq, %iota3A, %eq3A_81 : vector<16xi32>
    tpu.vector_store_idx %arg10[%shift_right_logical3A_50, %and3A_52], %broadcast_in_dim3A_45 masked %eq3A_82 {add = true} : memref<64x128xf32, #tpu.memory_space<vmem>>[vector<16xi32>, vector<16xi32>], vector<16xf32>, vector<16xi1>
    %eq3A_83 = arith.constant 10 : i32
    %eq3A_84 = vector.broadcast %eq3A_83 : i32 to vector<16xi32>
    %eq3A_85 = arith.cmpi eq, %iota3A, %eq3A_84 : vector<16xi32>
    tpu.vector_store_idx %arg10[%shift_right_logical3A_50, %and3A_52], %broadcast_in_dim3A_45 masked %eq3A_85 {add = true} : memref<64x128xf32, #tpu.memory_space<vmem>>[vector<16xi32>, vector<16xi32>], vector<16xf32>, vector<16xi1>
    %eq3A_86 = arith.constant 11 : i32
    %eq3A_87 = vector.broadcast %eq3A_86 : i32 to vector<16xi32>
    %eq3A_88 = arith.cmpi eq, %iota3A, %eq3A_87 : vector<16xi32>
    tpu.vector_store_idx %arg10[%shift_right_logical3A_50, %and3A_52], %broadcast_in_dim3A_45 masked %eq3A_88 {add = true} : memref<64x128xf32, #tpu.memory_space<vmem>>[vector<16xi32>, vector<16xi32>], vector<16xf32>, vector<16xi1>
    %eq3A_89 = arith.constant 12 : i32
    %eq3A_90 = vector.broadcast %eq3A_89 : i32 to vector<16xi32>
    %eq3A_91 = arith.cmpi eq, %iota3A, %eq3A_90 : vector<16xi32>
    tpu.vector_store_idx %arg10[%shift_right_logical3A_50, %and3A_52], %broadcast_in_dim3A_45 masked %eq3A_91 {add = true} : memref<64x128xf32, #tpu.memory_space<vmem>>[vector<16xi32>, vector<16xi32>], vector<16xf32>, vector<16xi1>
    %eq3A_92 = arith.constant 13 : i32
    %eq3A_93 = vector.broadcast %eq3A_92 : i32 to vector<16xi32>
    %eq3A_94 = arith.cmpi eq, %iota3A, %eq3A_93 : vector<16xi32>
    tpu.vector_store_idx %arg10[%shift_right_logical3A_50, %and3A_52], %broadcast_in_dim3A_45 masked %eq3A_94 {add = true} : memref<64x128xf32, #tpu.memory_space<vmem>>[vector<16xi32>, vector<16xi32>], vector<16xf32>, vector<16xi1>
    %eq3A_95 = arith.constant 14 : i32
    %eq3A_96 = vector.broadcast %eq3A_95 : i32 to vector<16xi32>
    %eq3A_97 = arith.cmpi eq, %iota3A, %eq3A_96 : vector<16xi32>
    tpu.vector_store_idx %arg10[%shift_right_logical3A_50, %and3A_52], %broadcast_in_dim3A_45 masked %eq3A_97 {add = true} : memref<64x128xf32, #tpu.memory_space<vmem>>[vector<16xi32>, vector<16xi32>], vector<16xf32>, vector<16xi1>
    %eq3A_98 = arith.constant 15 : i32
    %eq3A_99 = vector.broadcast %eq3A_98 : i32 to vector<16xi32>
    %eq3A_100 = arith.cmpi eq, %iota3A, %eq3A_99 : vector<16xi32>
    tpu.vector_store_idx %arg10[%shift_right_logical3A_50, %and3A_52], %broadcast_in_dim3A_45 masked %eq3A_100 {add = true} : memref<64x128xf32, #tpu.memory_space<vmem>>[vector<16xi32>, vector<16xi32>], vector<16xf32>, vector<16xi1>
    %get3A_101 = arith.constant 0 : i32
    %get3A_102 = arith.index_cast %get3A_101 : i32 to index
    %get3A_103 = arith.constant 16 : index
    %get3A_104 = tpu.vector_load %arg8[%get3A_102, %get3A_103] {strides = array<i32>} : memref<2x128xi32, #tpu.memory_space<vmem>>, vector<16xi32>,
    %shift_right_logical3A_105 = arith.constant 7 : i32
    %shift_right_logical3A_106 = vector.broadcast %shift_right_logical3A_105 : i32 to vector<16xi32>
    %shift_right_logical3A_107 = arith.shrui %get3A_104, %shift_right_logical3A_106 : vector<16xi32>
    %and3A_108 = arith.constant 127 : i32
    %and3A_109 = vector.broadcast %and3A_108 : i32 to vector<16xi32>
    %and3A_110 = arith.andi %get3A_104, %and3A_109 : vector<16xi32>
    %eq3A_111 = arith.constant 0 : i32
    %eq3A_112 = vector.broadcast %eq3A_111 : i32 to vector<16xi32>
    %eq3A_113 = arith.cmpi eq, %iota3A, %eq3A_112 : vector<16xi32>
    tpu.vector_store_idx %arg10[%shift_right_logical3A_107, %and3A_110], %broadcast_in_dim3A_45 masked %eq3A_113 {add = true} : memref<64x128xf32, #tpu.memory_space<vmem>>[vector<16xi32>, vector<16xi32>], vector<16xf32>, vector<16xi1>
    %eq3A_114 = arith.constant 1 : i32
    %eq3A_115 = vector.broadcast %eq3A_114 : i32 to vector<16xi32>
    %eq3A_116 = arith.cmpi eq, %iota3A, %eq3A_115 : vector<16xi32>
    tpu.vector_store_idx %arg10[%shift_right_logical3A_107, %and3A_110], %broadcast_in_dim3A_45 masked %eq3A_116 {add = true} : memref<64x128xf32, #tpu.memory_space<vmem>>[vector<16xi32>, vector<16xi32>], vector<16xf32>, vector<16xi1>
    %eq3A_117 = arith.constant 2 : i32
    %eq3A_118 = vector.broadcast %eq3A_117 : i32 to vector<16xi32>
    %eq3A_119 = arith.cmpi eq, %iota3A, %eq3A_118 : vector<16xi32>
    tpu.vector_store_idx %arg10[%shift_right_logical3A_107, %and3A_110], %broadcast_in_dim3A_45 masked %eq3A_119 {add = true} : memref<64x128xf32, #tpu.memory_space<vmem>>[vector<16xi32>, vector<16xi32>], vector<16xf32>, vector<16xi1>
    %eq3A_120 = arith.constant 3 : i32
    %eq3A_121 = vector.broadcast %eq3A_120 : i32 to vector<16xi32>
    %eq3A_122 = arith.cmpi eq, %iota3A, %eq3A_121 : vector<16xi32>
    tpu.vector_store_idx %arg10[%shift_right_logical3A_107, %and3A_110], %broadcast_in_dim3A_45 masked %eq3A_122 {add = true} : memref<64x128xf32, #tpu.memory_space<vmem>>[vector<16xi32>, vector<16xi32>], vector<16xf32>, vector<16xi1>
    %eq3A_123 = arith.constant 4 : i32
    %eq3A_124 = vector.broadcast %eq3A_123 : i32 to vector<16xi32>
    %eq3A_125 = arith.cmpi eq, %iota3A, %eq3A_124 : vector<16xi32>
    tpu.vector_store_idx %arg10[%shift_right_logical3A_107, %and3A_110], %broadcast_in_dim3A_45 masked %eq3A_125 {add = true} : memref<64x128xf32, #tpu.memory_space<vmem>>[vector<16xi32>, vector<16xi32>], vector<16xf32>, vector<16xi1>
    %eq3A_126 = arith.constant 5 : i32
    %eq3A_127 = vector.broadcast %eq3A_126 : i32 to vector<16xi32>
    %eq3A_128 = arith.cmpi eq, %iota3A, %eq3A_127 : vector<16xi32>
    tpu.vector_store_idx %arg10[%shift_right_logical3A_107, %and3A_110], %broadcast_in_dim3A_45 masked %eq3A_128 {add = true} : memref<64x128xf32, #tpu.memory_space<vmem>>[vector<16xi32>, vector<16xi32>], vector<16xf32>, vector<16xi1>
    %eq3A_129 = arith.constant 6 : i32
    %eq3A_130 = vector.broadcast %eq3A_129 : i32 to vector<16xi32>
    %eq3A_131 = arith.cmpi eq, %iota3A, %eq3A_130 : vector<16xi32>
    tpu.vector_store_idx %arg10[%shift_right_logical3A_107, %and3A_110], %broadcast_in_dim3A_45 masked %eq3A_131 {add = true} : memref<64x128xf32, #tpu.memory_space<vmem>>[vector<16xi32>, vector<16xi32>], vector<16xf32>, vector<16xi1>
    %eq3A_132 = arith.constant 7 : i32
    %eq3A_133 = vector.broadcast %eq3A_132 : i32 to vector<16xi32>
    %eq3A_134 = arith.cmpi eq, %iota3A, %eq3A_133 : vector<16xi32>
    tpu.vector_store_idx %arg10[%shift_right_logical3A_107, %and3A_110], %broadcast_in_dim3A_45 masked %eq3A_134 {add = true} : memref<64x128xf32, #tpu.memory_space<vmem>>[vector<16xi32>, vector<16xi32>], vector<16xf32>, vector<16xi1>
    %eq3A_135 = arith.constant 8 : i32
    %eq3A_136 = vector.broadcast %eq3A_135 : i32 to vector<16xi32>
    %eq3A_137 = arith.cmpi eq, %iota3A, %eq3A_136 : vector<16xi32>
    tpu.vector_store_idx %arg10[%shift_right_logical3A_107, %and3A_110], %broadcast_in_dim3A_45 masked %eq3A_137 {add = true} : memref<64x128xf32, #tpu.memory_space<vmem>>[vector<16xi32>, vector<16xi32>], vector<16xf32>, vector<16xi1>
    %eq3A_138 = arith.constant 9 : i32
    %eq3A_139 = vector.broadcast %eq3A_138 : i32 to vector<16xi32>
    %eq3A_140 = arith.cmpi eq, %iota3A, %eq3A_139 : vector<16xi32>
    tpu.vector_store_idx %arg10[%shift_right_logical3A_107, %and3A_110], %broadcast_in_dim3A_45 masked %eq3A_140 {add = true} : memref<64x128xf32, #tpu.memory_space<vmem>>[vector<16xi32>, vector<16xi32>], vector<16xf32>, vector<16xi1>
    %eq3A_141 = arith.constant 10 : i32
    %eq3A_142 = vector.broadcast %eq3A_141 : i32 to vector<16xi32>
    %eq3A_143 = arith.cmpi eq, %iota3A, %eq3A_142 : vector<16xi32>
    tpu.vector_store_idx %arg10[%shift_right_logical3A_107, %and3A_110], %broadcast_in_dim3A_45 masked %eq3A_143 {add = true} : memref<64x128xf32, #tpu.memory_space<vmem>>[vector<16xi32>, vector<16xi32>], vector<16xf32>, vector<16xi1>
    %eq3A_144 = arith.constant 11 : i32
    %eq3A_145 = vector.broadcast %eq3A_144 : i32 to vector<16xi32>
    %eq3A_146 = arith.cmpi eq, %iota3A, %eq3A_145 : vector<16xi32>
    tpu.vector_store_idx %arg10[%shift_right_logical3A_107, %and3A_110], %broadcast_in_dim3A_45 masked %eq3A_146 {add = true} : memref<64x128xf32, #tpu.memory_space<vmem>>[vector<16xi32>, vector<16xi32>], vector<16xf32>, vector<16xi1>
    %eq3A_147 = arith.constant 12 : i32
    %eq3A_148 = vector.broadcast %eq3A_147 : i32 to vector<16xi32>
    %eq3A_149 = arith.cmpi eq, %iota3A, %eq3A_148 : vector<16xi32>
    tpu.vector_store_idx %arg10[%shift_right_logical3A_107, %and3A_110], %broadcast_in_dim3A_45 masked %eq3A_149 {add = true} : memref<64x128xf32, #tpu.memory_space<vmem>>[vector<16xi32>, vector<16xi32>], vector<16xf32>, vector<16xi1>
    %eq3A_150 = arith.constant 13 : i32
    %eq3A_151 = vector.broadcast %eq3A_150 : i32 to vector<16xi32>
    %eq3A_152 = arith.cmpi eq, %iota3A, %eq3A_151 : vector<16xi32>
    tpu.vector_store_idx %arg10[%shift_right_logical3A_107, %and3A_110], %broadcast_in_dim3A_45 masked %eq3A_152 {add = true} : memref<64x128xf32, #tpu.memory_space<vmem>>[vector<16xi32>, vector<16xi32>], vector<16xf32>, vector<16xi1>
    %eq3A_153 = arith.constant 14 : i32
    %eq3A_154 = vector.broadcast %eq3A_153 : i32 to vector<16xi32>
    %eq3A_155 = arith.cmpi eq, %iota3A, %eq3A_154 : vector<16xi32>
    tpu.vector_store_idx %arg10[%shift_right_logical3A_107, %and3A_110], %broadcast_in_dim3A_45 masked %eq3A_155 {add = true} : memref<64x128xf32, #tpu.memory_space<vmem>>[vector<16xi32>, vector<16xi32>], vector<16xf32>, vector<16xi1>
    %eq3A_156 = arith.constant 15 : i32
    %eq3A_157 = vector.broadcast %eq3A_156 : i32 to vector<16xi32>
    %eq3A_158 = arith.cmpi eq, %iota3A, %eq3A_157 : vector<16xi32>
    tpu.vector_store_idx %arg10[%shift_right_logical3A_107, %and3A_110], %broadcast_in_dim3A_45 masked %eq3A_158 {add = true} : memref<64x128xf32, #tpu.memory_space<vmem>>[vector<16xi32>, vector<16xi32>], vector<16xf32>, vector<16xi1>
    %get3A_159 = arith.constant 0 : i32
    %get3A_160 = arith.index_cast %get3A_159 : i32 to index
    %get3A_161 = arith.constant 32 : index
    %get3A_162 = tpu.vector_load %arg8[%get3A_160, %get3A_161] {strides = array<i32>} : memref<2x128xi32, #tpu.memory_space<vmem>>, vector<16xi32>,
    %shift_right_logical3A_163 = arith.constant 7 : i32
    %shift_right_logical3A_164 = vector.broadcast %shift_right_logical3A_163 : i32 to vector<16xi32>
    %shift_right_logical3A_165 = arith.shrui %get3A_162, %shift_right_logical3A_164 : vector<16xi32>
    %and3A_166 = arith.constant 127 : i32
    %and3A_167 = vector.broadcast %and3A_166 : i32 to vector<16xi32>
    %and3A_168 = arith.andi %get3A_162, %and3A_167 : vector<16xi32>
    %eq3A_169 = arith.constant 0 : i32
    %eq3A_170 = vector.broadcast %eq3A_169 : i32 to vector<16xi32>
    %eq3A_171 = arith.cmpi eq, %iota3A, %eq3A_170 : vector<16xi32>
    tpu.vector_store_idx %arg10[%shift_right_logical3A_165, %and3A_168], %broadcast_in_dim3A_45 masked %eq3A_171 {add = true} : memref<64x128xf32, #tpu.memory_space<vmem>>[vector<16xi32>, vector<16xi32>], vector<16xf32>, vector<16xi1>
    %eq3A_172 = arith.constant 1 : i32
    %eq3A_173 = vector.broadcast %eq3A_172 : i32 to vector<16xi32>
    %eq3A_174 = arith.cmpi eq, %iota3A, %eq3A_173 : vector<16xi32>
    tpu.vector_store_idx %arg10[%shift_right_logical3A_165, %and3A_168], %broadcast_in_dim3A_45 masked %eq3A_174 {add = true} : memref<64x128xf32, #tpu.memory_space<vmem>>[vector<16xi32>, vector<16xi32>], vector<16xf32>, vector<16xi1>
    %eq3A_175 = arith.constant 2 : i32
    %eq3A_176 = vector.broadcast %eq3A_175 : i32 to vector<16xi32>
    %eq3A_177 = arith.cmpi eq, %iota3A, %eq3A_176 : vector<16xi32>
    tpu.vector_store_idx %arg10[%shift_right_logical3A_165, %and3A_168], %broadcast_in_dim3A_45 masked %eq3A_177 {add = true} : memref<64x128xf32, #tpu.memory_space<vmem>>[vector<16xi32>, vector<16xi32>], vector<16xf32>, vector<16xi1>
    %eq3A_178 = arith.constant 3 : i32
    %eq3A_179 = vector.broadcast %eq3A_178 : i32 to vector<16xi32>
    %eq3A_180 = arith.cmpi eq, %iota3A, %eq3A_179 : vector<16xi32>
    tpu.vector_store_idx %arg10[%shift_right_logical3A_165, %and3A_168], %broadcast_in_dim3A_45 masked %eq3A_180 {add = true} : memref<64x128xf32, #tpu.memory_space<vmem>>[vector<16xi32>, vector<16xi32>], vector<16xf32>, vector<16xi1>
    %eq3A_181 = arith.constant 4 : i32
    %eq3A_182 = vector.broadcast %eq3A_181 : i32 to vector<16xi32>
    %eq3A_183 = arith.cmpi eq, %iota3A, %eq3A_182 : vector<16xi32>
    tpu.vector_store_idx %arg10[%shift_right_logical3A_165, %and3A_168], %broadcast_in_dim3A_45 masked %eq3A_183 {add = true} : memref<64x128xf32, #tpu.memory_space<vmem>>[vector<16xi32>, vector<16xi32>], vector<16xf32>, vector<16xi1>
    %eq3A_184 = arith.constant 5 : i32
    %eq3A_185 = vector.broadcast %eq3A_184 : i32 to vector<16xi32>
    %eq3A_186 = arith.cmpi eq, %iota3A, %eq3A_185 : vector<16xi32>
    tpu.vector_store_idx %arg10[%shift_right_logical3A_165, %and3A_168], %broadcast_in_dim3A_45 masked %eq3A_186 {add = true} : memref<64x128xf32, #tpu.memory_space<vmem>>[vector<16xi32>, vector<16xi32>], vector<16xf32>, vector<16xi1>
    %eq3A_187 = arith.constant 6 : i32
    %eq3A_188 = vector.broadcast %eq3A_187 : i32 to vector<16xi32>
    %eq3A_189 = arith.cmpi eq, %iota3A, %eq3A_188 : vector<16xi32>
    tpu.vector_store_idx %arg10[%shift_right_logical3A_165, %and3A_168], %broadcast_in_dim3A_45 masked %eq3A_189 {add = true} : memref<64x128xf32, #tpu.memory_space<vmem>>[vector<16xi32>, vector<16xi32>], vector<16xf32>, vector<16xi1>
    %eq3A_190 = arith.constant 7 : i32
    %eq3A_191 = vector.broadcast %eq3A_190 : i32 to vector<16xi32>
    %eq3A_192 = arith.cmpi eq, %iota3A, %eq3A_191 : vector<16xi32>
    tpu.vector_store_idx %arg10[%shift_right_logical3A_165, %and3A_168], %broadcast_in_dim3A_45 masked %eq3A_192 {add = true} : memref<64x128xf32, #tpu.memory_space<vmem>>[vector<16xi32>, vector<16xi32>], vector<16xf32>, vector<16xi1>
    %eq3A_193 = arith.constant 8 : i32
    %eq3A_194 = vector.broadcast %eq3A_193 : i32 to vector<16xi32>
    %eq3A_195 = arith.cmpi eq, %iota3A, %eq3A_194 : vector<16xi32>
    tpu.vector_store_idx %arg10[%shift_right_logical3A_165, %and3A_168], %broadcast_in_dim3A_45 masked %eq3A_195 {add = true} : memref<64x128xf32, #tpu.memory_space<vmem>>[vector<16xi32>, vector<16xi32>], vector<16xf32>, vector<16xi1>
    %eq3A_196 = arith.constant 9 : i32
    %eq3A_197 = vector.broadcast %eq3A_196 : i32 to vector<16xi32>
    %eq3A_198 = arith.cmpi eq, %iota3A, %eq3A_197 : vector<16xi32>
    tpu.vector_store_idx %arg10[%shift_right_logical3A_165, %and3A_168], %broadcast_in_dim3A_45 masked %eq3A_198 {add = true} : memref<64x128xf32, #tpu.memory_space<vmem>>[vector<16xi32>, vector<16xi32>], vector<16xf32>, vector<16xi1>
    %eq3A_199 = arith.constant 10 : i32
    %eq3A_200 = vector.broadcast %eq3A_199 : i32 to vector<16xi32>
    %eq3A_201 = arith.cmpi eq, %iota3A, %eq3A_200 : vector<16xi32>
    tpu.vector_store_idx %arg10[%shift_right_logical3A_165, %and3A_168], %broadcast_in_dim3A_45 masked %eq3A_201 {add = true} : memref<64x128xf32, #tpu.memory_space<vmem>>[vector<16xi32>, vector<16xi32>], vector<16xf32>, vector<16xi1>
    %eq3A_202 = arith.constant 11 : i32
    %eq3A_203 = vector.broadcast %eq3A_202 : i32 to vector<16xi32>
    %eq3A_204 = arith.cmpi eq, %iota3A, %eq3A_203 : vector<16xi32>
    tpu.vector_store_idx %arg10[%shift_right_logical3A_165, %and3A_168], %broadcast_in_dim3A_45 masked %eq3A_204 {add = true} : memref<64x128xf32, #tpu.memory_space<vmem>>[vector<16xi32>, vector<16xi32>], vector<16xf32>, vector<16xi1>
    %eq3A_205 = arith.constant 12 : i32
    %eq3A_206 = vector.broadcast %eq3A_205 : i32 to vector<16xi32>
    %eq3A_207 = arith.cmpi eq, %iota3A, %eq3A_206 : vector<16xi32>
    tpu.vector_store_idx %arg10[%shift_right_logical3A_165, %and3A_168], %broadcast_in_dim3A_45 masked %eq3A_207 {add = true} : memref<64x128xf32, #tpu.memory_space<vmem>>[vector<16xi32>, vector<16xi32>], vector<16xf32>, vector<16xi1>
    %eq3A_208 = arith.constant 13 : i32
    %eq3A_209 = vector.broadcast %eq3A_208 : i32 to vector<16xi32>
    %eq3A_210 = arith.cmpi eq, %iota3A, %eq3A_209 : vector<16xi32>
    tpu.vector_store_idx %arg10[%shift_right_logical3A_165, %and3A_168], %broadcast_in_dim3A_45 masked %eq3A_210 {add = true} : memref<64x128xf32, #tpu.memory_space<vmem>>[vector<16xi32>, vector<16xi32>], vector<16xf32>, vector<16xi1>
    %eq3A_211 = arith.constant 14 : i32
    %eq3A_212 = vector.broadcast %eq3A_211 : i32 to vector<16xi32>
    %eq3A_213 = arith.cmpi eq, %iota3A, %eq3A_212 : vector<16xi32>
    tpu.vector_store_idx %arg10[%shift_right_logical3A_165, %and3A_168], %broadcast_in_dim3A_45 masked %eq3A_213 {add = true} : memref<64x128xf32, #tpu.memory_space<vmem>>[vector<16xi32>, vector<16xi32>], vector<16xf32>, vector<16xi1>
    %eq3A_214 = arith.constant 15 : i32
    %eq3A_215 = vector.broadcast %eq3A_214 : i32 to vector<16xi32>
    %eq3A_216 = arith.cmpi eq, %iota3A, %eq3A_215 : vector<16xi32>
    tpu.vector_store_idx %arg10[%shift_right_logical3A_165, %and3A_168], %broadcast_in_dim3A_45 masked %eq3A_216 {add = true} : memref<64x128xf32, #tpu.memory_space<vmem>>[vector<16xi32>, vector<16xi32>], vector<16xf32>, vector<16xi1>
    %get3A_217 = arith.constant 0 : i32
    %get3A_218 = arith.index_cast %get3A_217 : i32 to index
    %get3A_219 = arith.constant 48 : index
    %get3A_220 = tpu.vector_load %arg8[%get3A_218, %get3A_219] {strides = array<i32>} : memref<2x128xi32, #tpu.memory_space<vmem>>, vector<16xi32>,
    %shift_right_logical3A_221 = arith.constant 7 : i32
    %shift_right_logical3A_222 = vector.broadcast %shift_right_logical3A_221 : i32 to vector<16xi32>
    %shift_right_logical3A_223 = arith.shrui %get3A_220, %shift_right_logical3A_222 : vector<16xi32>
    %and3A_224 = arith.constant 127 : i32
    %and3A_225 = vector.broadcast %and3A_224 : i32 to vector<16xi32>
    %and3A_226 = arith.andi %get3A_220, %and3A_225 : vector<16xi32>
    %eq3A_227 = arith.constant 0 : i32
    %eq3A_228 = vector.broadcast %eq3A_227 : i32 to vector<16xi32>
    %eq3A_229 = arith.cmpi eq, %iota3A, %eq3A_228 : vector<16xi32>
    tpu.vector_store_idx %arg10[%shift_right_logical3A_223, %and3A_226], %broadcast_in_dim3A_45 masked %eq3A_229 {add = true} : memref<64x128xf32, #tpu.memory_space<vmem>>[vector<16xi32>, vector<16xi32>], vector<16xf32>, vector<16xi1>
    %eq3A_230 = arith.constant 1 : i32
    %eq3A_231 = vector.broadcast %eq3A_230 : i32 to vector<16xi32>
    %eq3A_232 = arith.cmpi eq, %iota3A, %eq3A_231 : vector<16xi32>
    tpu.vector_store_idx %arg10[%shift_right_logical3A_223, %and3A_226], %broadcast_in_dim3A_45 masked %eq3A_232 {add = true} : memref<64x128xf32, #tpu.memory_space<vmem>>[vector<16xi32>, vector<16xi32>], vector<16xf32>, vector<16xi1>
    %eq3A_233 = arith.constant 2 : i32
    %eq3A_234 = vector.broadcast %eq3A_233 : i32 to vector<16xi32>
    %eq3A_235 = arith.cmpi eq, %iota3A, %eq3A_234 : vector<16xi32>
    tpu.vector_store_idx %arg10[%shift_right_logical3A_223, %and3A_226], %broadcast_in_dim3A_45 masked %eq3A_235 {add = true} : memref<64x128xf32, #tpu.memory_space<vmem>>[vector<16xi32>, vector<16xi32>], vector<16xf32>, vector<16xi1>
    %eq3A_236 = arith.constant 3 : i32
    %eq3A_237 = vector.broadcast %eq3A_236 : i32 to vector<16xi32>
    %eq3A_238 = arith.cmpi eq, %iota3A, %eq3A_237 : vector<16xi32>
    tpu.vector_store_idx %arg10[%shift_right_logical3A_223, %and3A_226], %broadcast_in_dim3A_45 masked %eq3A_238 {add = true} : memref<64x128xf32, #tpu.memory_space<vmem>>[vector<16xi32>, vector<16xi32>], vector<16xf32>, vector<16xi1>
    %eq3A_239 = arith.constant 4 : i32
    %eq3A_240 = vector.broadcast %eq3A_239 : i32 to vector<16xi32>
    %eq3A_241 = arith.cmpi eq, %iota3A, %eq3A_240 : vector<16xi32>
    tpu.vector_store_idx %arg10[%shift_right_logical3A_223, %and3A_226], %broadcast_in_dim3A_45 masked %eq3A_241 {add = true} : memref<64x128xf32, #tpu.memory_space<vmem>>[vector<16xi32>, vector<16xi32>], vector<16xf32>, vector<16xi1>
    %eq3A_242 = arith.constant 5 : i32
    %eq3A_243 = vector.broadcast %eq3A_242 : i32 to vector<16xi32>
    %eq3A_244 = arith.cmpi eq, %iota3A, %eq3A_243 : vector<16xi32>
    tpu.vector_store_idx %arg10[%shift_right_logical3A_223, %and3A_226], %broadcast_in_dim3A_45 masked %eq3A_244 {add = true} : memref<64x128xf32, #tpu.memory_space<vmem>>[vector<16xi32>, vector<16xi32>], vector<16xf32>, vector<16xi1>
    %eq3A_245 = arith.constant 6 : i32
    %eq3A_246 = vector.broadcast %eq3A_245 : i32 to vector<16xi32>
    %eq3A_247 = arith.cmpi eq, %iota3A, %eq3A_246 : vector<16xi32>
    tpu.vector_store_idx %arg10[%shift_right_logical3A_223, %and3A_226], %broadcast_in_dim3A_45 masked %eq3A_247 {add = true} : memref<64x128xf32, #tpu.memory_space<vmem>>[vector<16xi32>, vector<16xi32>], vector<16xf32>, vector<16xi1>
    %eq3A_248 = arith.constant 7 : i32
    %eq3A_249 = vector.broadcast %eq3A_248 : i32 to vector<16xi32>
    %eq3A_250 = arith.cmpi eq, %iota3A, %eq3A_249 : vector<16xi32>
    tpu.vector_store_idx %arg10[%shift_right_logical3A_223, %and3A_226], %broadcast_in_dim3A_45 masked %eq3A_250 {add = true} : memref<64x128xf32, #tpu.memory_space<vmem>>[vector<16xi32>, vector<16xi32>], vector<16xf32>, vector<16xi1>
    %eq3A_251 = arith.constant 8 : i32
    %eq3A_252 = vector.broadcast %eq3A_251 : i32 to vector<16xi32>
    %eq3A_253 = arith.cmpi eq, %iota3A, %eq3A_252 : vector<16xi32>
    tpu.vector_store_idx %arg10[%shift_right_logical3A_223, %and3A_226], %broadcast_in_dim3A_45 masked %eq3A_253 {add = true} : memref<64x128xf32, #tpu.memory_space<vmem>>[vector<16xi32>, vector<16xi32>], vector<16xf32>, vector<16xi1>
    %eq3A_254 = arith.constant 9 : i32
    %eq3A_255 = vector.broadcast %eq3A_254 : i32 to vector<16xi32>
    %eq3A_256 = arith.cmpi eq, %iota3A, %eq3A_255 : vector<16xi32>
    tpu.vector_store_idx %arg10[%shift_right_logical3A_223, %and3A_226], %broadcast_in_dim3A_45 masked %eq3A_256 {add = true} : memref<64x128xf32, #tpu.memory_space<vmem>>[vector<16xi32>, vector<16xi32>], vector<16xf32>, vector<16xi1>
    %eq3A_257 = arith.constant 10 : i32
    %eq3A_258 = vector.broadcast %eq3A_257 : i32 to vector<16xi32>
    %eq3A_259 = arith.cmpi eq, %iota3A, %eq3A_258 : vector<16xi32>
    tpu.vector_store_idx %arg10[%shift_right_logical3A_223, %and3A_226], %broadcast_in_dim3A_45 masked %eq3A_259 {add = true} : memref<64x128xf32, #tpu.memory_space<vmem>>[vector<16xi32>, vector<16xi32>], vector<16xf32>, vector<16xi1>
    %eq3A_260 = arith.constant 11 : i32
    %eq3A_261 = vector.broadcast %eq3A_260 : i32 to vector<16xi32>
    %eq3A_262 = arith.cmpi eq, %iota3A, %eq3A_261 : vector<16xi32>
    tpu.vector_store_idx %arg10[%shift_right_logical3A_223, %and3A_226], %broadcast_in_dim3A_45 masked %eq3A_262 {add = true} : memref<64x128xf32, #tpu.memory_space<vmem>>[vector<16xi32>, vector<16xi32>], vector<16xf32>, vector<16xi1>
    %eq3A_263 = arith.constant 12 : i32
    %eq3A_264 = vector.broadcast %eq3A_263 : i32 to vector<16xi32>
    %eq3A_265 = arith.cmpi eq, %iota3A, %eq3A_264 : vector<16xi32>
    tpu.vector_store_idx %arg10[%shift_right_logical3A_223, %and3A_226], %broadcast_in_dim3A_45 masked %eq3A_265 {add = true} : memref<64x128xf32, #tpu.memory_space<vmem>>[vector<16xi32>, vector<16xi32>], vector<16xf32>, vector<16xi1>
    %eq3A_266 = arith.constant 13 : i32
    %eq3A_267 = vector.broadcast %eq3A_266 : i32 to vector<16xi32>
    %eq3A_268 = arith.cmpi eq, %iota3A, %eq3A_267 : vector<16xi32>
    tpu.vector_store_idx %arg10[%shift_right_logical3A_223, %and3A_226], %broadcast_in_dim3A_45 masked %eq3A_268 {add = true} : memref<64x128xf32, #tpu.memory_space<vmem>>[vector<16xi32>, vector<16xi32>], vector<16xf32>, vector<16xi1>
    %eq3A_269 = arith.constant 14 : i32
    %eq3A_270 = vector.broadcast %eq3A_269 : i32 to vector<16xi32>
    %eq3A_271 = arith.cmpi eq, %iota3A, %eq3A_270 : vector<16xi32>
    tpu.vector_store_idx %arg10[%shift_right_logical3A_223, %and3A_226], %broadcast_in_dim3A_45 masked %eq3A_271 {add = true} : memref<64x128xf32, #tpu.memory_space<vmem>>[vector<16xi32>, vector<16xi32>], vector<16xf32>, vector<16xi1>
    %eq3A_272 = arith.constant 15 : i32
    %eq3A_273 = vector.broadcast %eq3A_272 : i32 to vector<16xi32>
    %eq3A_274 = arith.cmpi eq, %iota3A, %eq3A_273 : vector<16xi32>
    tpu.vector_store_idx %arg10[%shift_right_logical3A_223, %and3A_226], %broadcast_in_dim3A_45 masked %eq3A_274 {add = true} : memref<64x128xf32, #tpu.memory_space<vmem>>[vector<16xi32>, vector<16xi32>], vector<16xf32>, vector<16xi1>
    %get3A_275 = arith.constant 0 : i32
    %get3A_276 = arith.index_cast %get3A_275 : i32 to index
    %get3A_277 = arith.constant 64 : index
    %get3A_278 = tpu.vector_load %arg8[%get3A_276, %get3A_277] {strides = array<i32>} : memref<2x128xi32, #tpu.memory_space<vmem>>, vector<16xi32>,
    %shift_right_logical3A_279 = arith.constant 7 : i32
    %shift_right_logical3A_280 = vector.broadcast %shift_right_logical3A_279 : i32 to vector<16xi32>
    %shift_right_logical3A_281 = arith.shrui %get3A_278, %shift_right_logical3A_280 : vector<16xi32>
    %and3A_282 = arith.constant 127 : i32
    %and3A_283 = vector.broadcast %and3A_282 : i32 to vector<16xi32>
    %and3A_284 = arith.andi %get3A_278, %and3A_283 : vector<16xi32>
    %eq3A_285 = arith.constant 0 : i32
    %eq3A_286 = vector.broadcast %eq3A_285 : i32 to vector<16xi32>
    %eq3A_287 = arith.cmpi eq, %iota3A, %eq3A_286 : vector<16xi32>
    tpu.vector_store_idx %arg10[%shift_right_logical3A_281, %and3A_284], %broadcast_in_dim3A_45 masked %eq3A_287 {add = true} : memref<64x128xf32, #tpu.memory_space<vmem>>[vector<16xi32>, vector<16xi32>], vector<16xf32>, vector<16xi1>
    %eq3A_288 = arith.constant 1 : i32
    %eq3A_289 = vector.broadcast %eq3A_288 : i32 to vector<16xi32>
    %eq3A_290 = arith.cmpi eq, %iota3A, %eq3A_289 : vector<16xi32>
    tpu.vector_store_idx %arg10[%shift_right_logical3A_281, %and3A_284], %broadcast_in_dim3A_45 masked %eq3A_290 {add = true} : memref<64x128xf32, #tpu.memory_space<vmem>>[vector<16xi32>, vector<16xi32>], vector<16xf32>, vector<16xi1>
    %eq3A_291 = arith.constant 2 : i32
    %eq3A_292 = vector.broadcast %eq3A_291 : i32 to vector<16xi32>
    %eq3A_293 = arith.cmpi eq, %iota3A, %eq3A_292 : vector<16xi32>
    tpu.vector_store_idx %arg10[%shift_right_logical3A_281, %and3A_284], %broadcast_in_dim3A_45 masked %eq3A_293 {add = true} : memref<64x128xf32, #tpu.memory_space<vmem>>[vector<16xi32>, vector<16xi32>], vector<16xf32>, vector<16xi1>
    %eq3A_294 = arith.constant 3 : i32
    %eq3A_295 = vector.broadcast %eq3A_294 : i32 to vector<16xi32>
    %eq3A_296 = arith.cmpi eq, %iota3A, %eq3A_295 : vector<16xi32>
    tpu.vector_store_idx %arg10[%shift_right_logical3A_281, %and3A_284], %broadcast_in_dim3A_45 masked %eq3A_296 {add = true} : memref<64x128xf32, #tpu.memory_space<vmem>>[vector<16xi32>, vector<16xi32>], vector<16xf32>, vector<16xi1>
    %eq3A_297 = arith.constant 4 : i32
    %eq3A_298 = vector.broadcast %eq3A_297 : i32 to vector<16xi32>
    %eq3A_299 = arith.cmpi eq, %iota3A, %eq3A_298 : vector<16xi32>
    tpu.vector_store_idx %arg10[%shift_right_logical3A_281, %and3A_284], %broadcast_in_dim3A_45 masked %eq3A_299 {add = true} : memref<64x128xf32, #tpu.memory_space<vmem>>[vector<16xi32>, vector<16xi32>], vector<16xf32>, vector<16xi1>
    %eq3A_300 = arith.constant 5 : i32
    %eq3A_301 = vector.broadcast %eq3A_300 : i32 to vector<16xi32>
    %eq3A_302 = arith.cmpi eq, %iota3A, %eq3A_301 : vector<16xi32>
    tpu.vector_store_idx %arg10[%shift_right_logical3A_281, %and3A_284], %broadcast_in_dim3A_45 masked %eq3A_302 {add = true} : memref<64x128xf32, #tpu.memory_space<vmem>>[vector<16xi32>, vector<16xi32>], vector<16xf32>, vector<16xi1>
    %eq3A_303 = arith.constant 6 : i32
    %eq3A_304 = vector.broadcast %eq3A_303 : i32 to vector<16xi32>
    %eq3A_305 = arith.cmpi eq, %iota3A, %eq3A_304 : vector<16xi32>
    tpu.vector_store_idx %arg10[%shift_right_logical3A_281, %and3A_284], %broadcast_in_dim3A_45 masked %eq3A_305 {add = true} : memref<64x128xf32, #tpu.memory_space<vmem>>[vector<16xi32>, vector<16xi32>], vector<16xf32>, vector<16xi1>
    %eq3A_306 = arith.constant 7 : i32
    %eq3A_307 = vector.broadcast %eq3A_306 : i32 to vector<16xi32>
    %eq3A_308 = arith.cmpi eq, %iota3A, %eq3A_307 : vector<16xi32>
    tpu.vector_store_idx %arg10[%shift_right_logical3A_281, %and3A_284], %broadcast_in_dim3A_45 masked %eq3A_308 {add = true} : memref<64x128xf32, #tpu.memory_space<vmem>>[vector<16xi32>, vector<16xi32>], vector<16xf32>, vector<16xi1>
    %eq3A_309 = arith.constant 8 : i32
    %eq3A_310 = vector.broadcast %eq3A_309 : i32 to vector<16xi32>
    %eq3A_311 = arith.cmpi eq, %iota3A, %eq3A_310 : vector<16xi32>
    tpu.vector_store_idx %arg10[%shift_right_logical3A_281, %and3A_284], %broadcast_in_dim3A_45 masked %eq3A_311 {add = true} : memref<64x128xf32, #tpu.memory_space<vmem>>[vector<16xi32>, vector<16xi32>], vector<16xf32>, vector<16xi1>
    %eq3A_312 = arith.constant 9 : i32
    %eq3A_313 = vector.broadcast %eq3A_312 : i32 to vector<16xi32>
    %eq3A_314 = arith.cmpi eq, %iota3A, %eq3A_313 : vector<16xi32>
    tpu.vector_store_idx %arg10[%shift_right_logical3A_281, %and3A_284], %broadcast_in_dim3A_45 masked %eq3A_314 {add = true} : memref<64x128xf32, #tpu.memory_space<vmem>>[vector<16xi32>, vector<16xi32>], vector<16xf32>, vector<16xi1>
    %eq3A_315 = arith.constant 10 : i32
    %eq3A_316 = vector.broadcast %eq3A_315 : i32 to vector<16xi32>
    %eq3A_317 = arith.cmpi eq, %iota3A, %eq3A_316 : vector<16xi32>
    tpu.vector_store_idx %arg10[%shift_right_logical3A_281, %and3A_284], %broadcast_in_dim3A_45 masked %eq3A_317 {add = true} : memref<64x128xf32, #tpu.memory_space<vmem>>[vector<16xi32>, vector<16xi32>], vector<16xf32>, vector<16xi1>
    %eq3A_318 = arith.constant 11 : i32
    %eq3A_319 = vector.broadcast %eq3A_318 : i32 to vector<16xi32>
    %eq3A_320 = arith.cmpi eq, %iota3A, %eq3A_319 : vector<16xi32>
    tpu.vector_store_idx %arg10[%shift_right_logical3A_281, %and3A_284], %broadcast_in_dim3A_45 masked %eq3A_320 {add = true} : memref<64x128xf32, #tpu.memory_space<vmem>>[vector<16xi32>, vector<16xi32>], vector<16xf32>, vector<16xi1>
    %eq3A_321 = arith.constant 12 : i32
    %eq3A_322 = vector.broadcast %eq3A_321 : i32 to vector<16xi32>
    %eq3A_323 = arith.cmpi eq, %iota3A, %eq3A_322 : vector<16xi32>
    tpu.vector_store_idx %arg10[%shift_right_logical3A_281, %and3A_284], %broadcast_in_dim3A_45 masked %eq3A_323 {add = true} : memref<64x128xf32, #tpu.memory_space<vmem>>[vector<16xi32>, vector<16xi32>], vector<16xf32>, vector<16xi1>
    %eq3A_324 = arith.constant 13 : i32
    %eq3A_325 = vector.broadcast %eq3A_324 : i32 to vector<16xi32>
    %eq3A_326 = arith.cmpi eq, %iota3A, %eq3A_325 : vector<16xi32>
    tpu.vector_store_idx %arg10[%shift_right_logical3A_281, %and3A_284], %broadcast_in_dim3A_45 masked %eq3A_326 {add = true} : memref<64x128xf32, #tpu.memory_space<vmem>>[vector<16xi32>, vector<16xi32>], vector<16xf32>, vector<16xi1>
    %eq3A_327 = arith.constant 14 : i32
    %eq3A_328 = vector.broadcast %eq3A_327 : i32 to vector<16xi32>
    %eq3A_329 = arith.cmpi eq, %iota3A, %eq3A_328 : vector<16xi32>
    tpu.vector_store_idx %arg10[%shift_right_logical3A_281, %and3A_284], %broadcast_in_dim3A_45 masked %eq3A_329 {add = true} : memref<64x128xf32, #tpu.memory_space<vmem>>[vector<16xi32>, vector<16xi32>], vector<16xf32>, vector<16xi1>
    %eq3A_330 = arith.constant 15 : i32
    %eq3A_331 = vector.broadcast %eq3A_330 : i32 to vector<16xi32>
    %eq3A_332 = arith.cmpi eq, %iota3A, %eq3A_331 : vector<16xi32>
    tpu.vector_store_idx %arg10[%shift_right_logical3A_281, %and3A_284], %broadcast_in_dim3A_45 masked %eq3A_332 {add = true} : memref<64x128xf32, #tpu.memory_space<vmem>>[vector<16xi32>, vector<16xi32>], vector<16xf32>, vector<16xi1>
    %get3A_333 = arith.constant 0 : i32
    %get3A_334 = arith.index_cast %get3A_333 : i32 to index
    %get3A_335 = arith.constant 80 : index
    %get3A_336 = tpu.vector_load %arg8[%get3A_334, %get3A_335] {strides = array<i32>} : memref<2x128xi32, #tpu.memory_space<vmem>>, vector<16xi32>,
    %shift_right_logical3A_337 = arith.constant 7 : i32
    %shift_right_logical3A_338 = vector.broadcast %shift_right_logical3A_337 : i32 to vector<16xi32>
    %shift_right_logical3A_339 = arith.shrui %get3A_336, %shift_right_logical3A_338 : vector<16xi32>
    %and3A_340 = arith.constant 127 : i32
    %and3A_341 = vector.broadcast %and3A_340 : i32 to vector<16xi32>
    %and3A_342 = arith.andi %get3A_336, %and3A_341 : vector<16xi32>
    %eq3A_343 = arith.constant 0 : i32
    %eq3A_344 = vector.broadcast %eq3A_343 : i32 to vector<16xi32>
    %eq3A_345 = arith.cmpi eq, %iota3A, %eq3A_344 : vector<16xi32>
    tpu.vector_store_idx %arg10[%shift_right_logical3A_339, %and3A_342], %broadcast_in_dim3A_45 masked %eq3A_345 {add = true} : memref<64x128xf32, #tpu.memory_space<vmem>>[vector<16xi32>, vector<16xi32>], vector<16xf32>, vector<16xi1>
    %eq3A_346 = arith.constant 1 : i32
    %eq3A_347 = vector.broadcast %eq3A_346 : i32 to vector<16xi32>
    %eq3A_348 = arith.cmpi eq, %iota3A, %eq3A_347 : vector<16xi32>
    tpu.vector_store_idx %arg10[%shift_right_logical3A_339, %and3A_342], %broadcast_in_dim3A_45 masked %eq3A_348 {add = true} : memref<64x128xf32, #tpu.memory_space<vmem>>[vector<16xi32>, vector<16xi32>], vector<16xf32>, vector<16xi1>
    %eq3A_349 = arith.constant 2 : i32
    %eq3A_350 = vector.broadcast %eq3A_349 : i32 to vector<16xi32>
    %eq3A_351 = arith.cmpi eq, %iota3A, %eq3A_350 : vector<16xi32>
    tpu.vector_store_idx %arg10[%shift_right_logical3A_339, %and3A_342], %broadcast_in_dim3A_45 masked %eq3A_351 {add = true} : memref<64x128xf32, #tpu.memory_space<vmem>>[vector<16xi32>, vector<16xi32>], vector<16xf32>, vector<16xi1>
    %eq3A_352 = arith.constant 3 : i32
    %eq3A_353 = vector.broadcast %eq3A_352 : i32 to vector<16xi32>
    %eq3A_354 = arith.cmpi eq, %iota3A, %eq3A_353 : vector<16xi32>
    tpu.vector_store_idx %arg10[%shift_right_logical3A_339, %and3A_342], %broadcast_in_dim3A_45 masked %eq3A_354 {add = true} : memref<64x128xf32, #tpu.memory_space<vmem>>[vector<16xi32>, vector<16xi32>], vector<16xf32>, vector<16xi1>
    %eq3A_355 = arith.constant 4 : i32
    %eq3A_356 = vector.broadcast %eq3A_355 : i32 to vector<16xi32>
    %eq3A_357 = arith.cmpi eq, %iota3A, %eq3A_356 : vector<16xi32>
    tpu.vector_store_idx %arg10[%shift_right_logical3A_339, %and3A_342], %broadcast_in_dim3A_45 masked %eq3A_357 {add = true} : memref<64x128xf32, #tpu.memory_space<vmem>>[vector<16xi32>, vector<16xi32>], vector<16xf32>, vector<16xi1>
    %eq3A_358 = arith.constant 5 : i32
    %eq3A_359 = vector.broadcast %eq3A_358 : i32 to vector<16xi32>
    %eq3A_360 = arith.cmpi eq, %iota3A, %eq3A_359 : vector<16xi32>
    tpu.vector_store_idx %arg10[%shift_right_logical3A_339, %and3A_342], %broadcast_in_dim3A_45 masked %eq3A_360 {add = true} : memref<64x128xf32, #tpu.memory_space<vmem>>[vector<16xi32>, vector<16xi32>], vector<16xf32>, vector<16xi1>
    %eq3A_361 = arith.constant 6 : i32
    %eq3A_362 = vector.broadcast %eq3A_361 : i32 to vector<16xi32>
    %eq3A_363 = arith.cmpi eq, %iota3A, %eq3A_362 : vector<16xi32>
    tpu.vector_store_idx %arg10[%shift_right_logical3A_339, %and3A_342], %broadcast_in_dim3A_45 masked %eq3A_363 {add = true} : memref<64x128xf32, #tpu.memory_space<vmem>>[vector<16xi32>, vector<16xi32>], vector<16xf32>, vector<16xi1>
    %eq3A_364 = arith.constant 7 : i32
    %eq3A_365 = vector.broadcast %eq3A_364 : i32 to vector<16xi32>
    %eq3A_366 = arith.cmpi eq, %iota3A, %eq3A_365 : vector<16xi32>
    tpu.vector_store_idx %arg10[%shift_right_logical3A_339, %and3A_342], %broadcast_in_dim3A_45 masked %eq3A_366 {add = true} : memref<64x128xf32, #tpu.memory_space<vmem>>[vector<16xi32>, vector<16xi32>], vector<16xf32>, vector<16xi1>
    %eq3A_367 = arith.constant 8 : i32
    %eq3A_368 = vector.broadcast %eq3A_367 : i32 to vector<16xi32>
    %eq3A_369 = arith.cmpi eq, %iota3A, %eq3A_368 : vector<16xi32>
    tpu.vector_store_idx %arg10[%shift_right_logical3A_339, %and3A_342], %broadcast_in_dim3A_45 masked %eq3A_369 {add = true} : memref<64x128xf32, #tpu.memory_space<vmem>>[vector<16xi32>, vector<16xi32>], vector<16xf32>, vector<16xi1>
    %eq3A_370 = arith.constant 9 : i32
    %eq3A_371 = vector.broadcast %eq3A_370 : i32 to vector<16xi32>
    %eq3A_372 = arith.cmpi eq, %iota3A, %eq3A_371 : vector<16xi32>
    tpu.vector_store_idx %arg10[%shift_right_logical3A_339, %and3A_342], %broadcast_in_dim3A_45 masked %eq3A_372 {add = true} : memref<64x128xf32, #tpu.memory_space<vmem>>[vector<16xi32>, vector<16xi32>], vector<16xf32>, vector<16xi1>
    %eq3A_373 = arith.constant 10 : i32
    %eq3A_374 = vector.broadcast %eq3A_373 : i32 to vector<16xi32>
    %eq3A_375 = arith.cmpi eq, %iota3A, %eq3A_374 : vector<16xi32>
    tpu.vector_store_idx %arg10[%shift_right_logical3A_339, %and3A_342], %broadcast_in_dim3A_45 masked %eq3A_375 {add = true} : memref<64x128xf32, #tpu.memory_space<vmem>>[vector<16xi32>, vector<16xi32>], vector<16xf32>, vector<16xi1>
    %eq3A_376 = arith.constant 11 : i32
    %eq3A_377 = vector.broadcast %eq3A_376 : i32 to vector<16xi32>
    %eq3A_378 = arith.cmpi eq, %iota3A, %eq3A_377 : vector<16xi32>
    tpu.vector_store_idx %arg10[%shift_right_logical3A_339, %and3A_342], %broadcast_in_dim3A_45 masked %eq3A_378 {add = true} : memref<64x128xf32, #tpu.memory_space<vmem>>[vector<16xi32>, vector<16xi32>], vector<16xf32>, vector<16xi1>
    %eq3A_379 = arith.constant 12 : i32
    %eq3A_380 = vector.broadcast %eq3A_379 : i32 to vector<16xi32>
    %eq3A_381 = arith.cmpi eq, %iota3A, %eq3A_380 : vector<16xi32>
    tpu.vector_store_idx %arg10[%shift_right_logical3A_339, %and3A_342], %broadcast_in_dim3A_45 masked %eq3A_381 {add = true} : memref<64x128xf32, #tpu.memory_space<vmem>>[vector<16xi32>, vector<16xi32>], vector<16xf32>, vector<16xi1>
    %eq3A_382 = arith.constant 13 : i32
    %eq3A_383 = vector.broadcast %eq3A_382 : i32 to vector<16xi32>
    %eq3A_384 = arith.cmpi eq, %iota3A, %eq3A_383 : vector<16xi32>
    tpu.vector_store_idx %arg10[%shift_right_logical3A_339, %and3A_342], %broadcast_in_dim3A_45 masked %eq3A_384 {add = true} : memref<64x128xf32, #tpu.memory_space<vmem>>[vector<16xi32>, vector<16xi32>], vector<16xf32>, vector<16xi1>
    %eq3A_385 = arith.constant 14 : i32
    %eq3A_386 = vector.broadcast %eq3A_385 : i32 to vector<16xi32>
    %eq3A_387 = arith.cmpi eq, %iota3A, %eq3A_386 : vector<16xi32>
    tpu.vector_store_idx %arg10[%shift_right_logical3A_339, %and3A_342], %broadcast_in_dim3A_45 masked %eq3A_387 {add = true} : memref<64x128xf32, #tpu.memory_space<vmem>>[vector<16xi32>, vector<16xi32>], vector<16xf32>, vector<16xi1>
    %eq3A_388 = arith.constant 15 : i32
    %eq3A_389 = vector.broadcast %eq3A_388 : i32 to vector<16xi32>
    %eq3A_390 = arith.cmpi eq, %iota3A, %eq3A_389 : vector<16xi32>
    tpu.vector_store_idx %arg10[%shift_right_logical3A_339, %and3A_342], %broadcast_in_dim3A_45 masked %eq3A_390 {add = true} : memref<64x128xf32, #tpu.memory_space<vmem>>[vector<16xi32>, vector<16xi32>], vector<16xf32>, vector<16xi1>
    %get3A_391 = arith.constant 0 : i32
    %get3A_392 = arith.index_cast %get3A_391 : i32 to index
    %get3A_393 = arith.constant 96 : index
    %get3A_394 = tpu.vector_load %arg8[%get3A_392, %get3A_393] {strides = array<i32>} : memref<2x128xi32, #tpu.memory_space<vmem>>, vector<16xi32>,
    %shift_right_logical3A_395 = arith.constant 7 : i32
    %shift_right_logical3A_396 = vector.broadcast %shift_right_logical3A_395 : i32 to vector<16xi32>
    %shift_right_logical3A_397 = arith.shrui %get3A_394, %shift_right_logical3A_396 : vector<16xi32>
    %and3A_398 = arith.constant 127 : i32
    %and3A_399 = vector.broadcast %and3A_398 : i32 to vector<16xi32>
    %and3A_400 = arith.andi %get3A_394, %and3A_399 : vector<16xi32>
    %eq3A_401 = arith.constant 0 : i32
    %eq3A_402 = vector.broadcast %eq3A_401 : i32 to vector<16xi32>
    %eq3A_403 = arith.cmpi eq, %iota3A, %eq3A_402 : vector<16xi32>
    tpu.vector_store_idx %arg10[%shift_right_logical3A_397, %and3A_400], %broadcast_in_dim3A_45 masked %eq3A_403 {add = true} : memref<64x128xf32, #tpu.memory_space<vmem>>[vector<16xi32>, vector<16xi32>], vector<16xf32>, vector<16xi1>
    %eq3A_404 = arith.constant 1 : i32
    %eq3A_405 = vector.broadcast %eq3A_404 : i32 to vector<16xi32>
    %eq3A_406 = arith.cmpi eq, %iota3A, %eq3A_405 : vector<16xi32>
    tpu.vector_store_idx %arg10[%shift_right_logical3A_397, %and3A_400], %broadcast_in_dim3A_45 masked %eq3A_406 {add = true} : memref<64x128xf32, #tpu.memory_space<vmem>>[vector<16xi32>, vector<16xi32>], vector<16xf32>, vector<16xi1>
    %eq3A_407 = arith.constant 2 : i32
    %eq3A_408 = vector.broadcast %eq3A_407 : i32 to vector<16xi32>
    %eq3A_409 = arith.cmpi eq, %iota3A, %eq3A_408 : vector<16xi32>
    tpu.vector_store_idx %arg10[%shift_right_logical3A_397, %and3A_400], %broadcast_in_dim3A_45 masked %eq3A_409 {add = true} : memref<64x128xf32, #tpu.memory_space<vmem>>[vector<16xi32>, vector<16xi32>], vector<16xf32>, vector<16xi1>
    %eq3A_410 = arith.constant 3 : i32
    %eq3A_411 = vector.broadcast %eq3A_410 : i32 to vector<16xi32>
    %eq3A_412 = arith.cmpi eq, %iota3A, %eq3A_411 : vector<16xi32>
    tpu.vector_store_idx %arg10[%shift_right_logical3A_397, %and3A_400], %broadcast_in_dim3A_45 masked %eq3A_412 {add = true} : memref<64x128xf32, #tpu.memory_space<vmem>>[vector<16xi32>, vector<16xi32>], vector<16xf32>, vector<16xi1>
    %eq3A_413 = arith.constant 4 : i32
    %eq3A_414 = vector.broadcast %eq3A_413 : i32 to vector<16xi32>
    %eq3A_415 = arith.cmpi eq, %iota3A, %eq3A_414 : vector<16xi32>
    tpu.vector_store_idx %arg10[%shift_right_logical3A_397, %and3A_400], %broadcast_in_dim3A_45 masked %eq3A_415 {add = true} : memref<64x128xf32, #tpu.memory_space<vmem>>[vector<16xi32>, vector<16xi32>], vector<16xf32>, vector<16xi1>
    %eq3A_416 = arith.constant 5 : i32
    %eq3A_417 = vector.broadcast %eq3A_416 : i32 to vector<16xi32>
    %eq3A_418 = arith.cmpi eq, %iota3A, %eq3A_417 : vector<16xi32>
    tpu.vector_store_idx %arg10[%shift_right_logical3A_397, %and3A_400], %broadcast_in_dim3A_45 masked %eq3A_418 {add = true} : memref<64x128xf32, #tpu.memory_space<vmem>>[vector<16xi32>, vector<16xi32>], vector<16xf32>, vector<16xi1>
    %eq3A_419 = arith.constant 6 : i32
    %eq3A_420 = vector.broadcast %eq3A_419 : i32 to vector<16xi32>
    %eq3A_421 = arith.cmpi eq, %iota3A, %eq3A_420 : vector<16xi32>
    tpu.vector_store_idx %arg10[%shift_right_logical3A_397, %and3A_400], %broadcast_in_dim3A_45 masked %eq3A_421 {add = true} : memref<64x128xf32, #tpu.memory_space<vmem>>[vector<16xi32>, vector<16xi32>], vector<16xf32>, vector<16xi1>
    %eq3A_422 = arith.constant 7 : i32
    %eq3A_423 = vector.broadcast %eq3A_422 : i32 to vector<16xi32>
    %eq3A_424 = arith.cmpi eq, %iota3A, %eq3A_423 : vector<16xi32>
    tpu.vector_store_idx %arg10[%shift_right_logical3A_397, %and3A_400], %broadcast_in_dim3A_45 masked %eq3A_424 {add = true} : memref<64x128xf32, #tpu.memory_space<vmem>>[vector<16xi32>, vector<16xi32>], vector<16xf32>, vector<16xi1>
    %eq3A_425 = arith.constant 8 : i32
    %eq3A_426 = vector.broadcast %eq3A_425 : i32 to vector<16xi32>
    %eq3A_427 = arith.cmpi eq, %iota3A, %eq3A_426 : vector<16xi32>
    tpu.vector_store_idx %arg10[%shift_right_logical3A_397, %and3A_400], %broadcast_in_dim3A_45 masked %eq3A_427 {add = true} : memref<64x128xf32, #tpu.memory_space<vmem>>[vector<16xi32>, vector<16xi32>], vector<16xf32>, vector<16xi1>
    %eq3A_428 = arith.constant 9 : i32
    %eq3A_429 = vector.broadcast %eq3A_428 : i32 to vector<16xi32>
    %eq3A_430 = arith.cmpi eq, %iota3A, %eq3A_429 : vector<16xi32>
    tpu.vector_store_idx %arg10[%shift_right_logical3A_397, %and3A_400], %broadcast_in_dim3A_45 masked %eq3A_430 {add = true} : memref<64x128xf32, #tpu.memory_space<vmem>>[vector<16xi32>, vector<16xi32>], vector<16xf32>, vector<16xi1>
    %eq3A_431 = arith.constant 10 : i32
    %eq3A_432 = vector.broadcast %eq3A_431 : i32 to vector<16xi32>
    %eq3A_433 = arith.cmpi eq, %iota3A, %eq3A_432 : vector<16xi32>
    tpu.vector_store_idx %arg10[%shift_right_logical3A_397, %and3A_400], %broadcast_in_dim3A_45 masked %eq3A_433 {add = true} : memref<64x128xf32, #tpu.memory_space<vmem>>[vector<16xi32>, vector<16xi32>], vector<16xf32>, vector<16xi1>
    %eq3A_434 = arith.constant 11 : i32
    %eq3A_435 = vector.broadcast %eq3A_434 : i32 to vector<16xi32>
    %eq3A_436 = arith.cmpi eq, %iota3A, %eq3A_435 : vector<16xi32>
    tpu.vector_store_idx %arg10[%shift_right_logical3A_397, %and3A_400], %broadcast_in_dim3A_45 masked %eq3A_436 {add = true} : memref<64x128xf32, #tpu.memory_space<vmem>>[vector<16xi32>, vector<16xi32>], vector<16xf32>, vector<16xi1>
    %eq3A_437 = arith.constant 12 : i32
    %eq3A_438 = vector.broadcast %eq3A_437 : i32 to vector<16xi32>
    %eq3A_439 = arith.cmpi eq, %iota3A, %eq3A_438 : vector<16xi32>
    tpu.vector_store_idx %arg10[%shift_right_logical3A_397, %and3A_400], %broadcast_in_dim3A_45 masked %eq3A_439 {add = true} : memref<64x128xf32, #tpu.memory_space<vmem>>[vector<16xi32>, vector<16xi32>], vector<16xf32>, vector<16xi1>
    %eq3A_440 = arith.constant 13 : i32
    %eq3A_441 = vector.broadcast %eq3A_440 : i32 to vector<16xi32>
    %eq3A_442 = arith.cmpi eq, %iota3A, %eq3A_441 : vector<16xi32>
    tpu.vector_store_idx %arg10[%shift_right_logical3A_397, %and3A_400], %broadcast_in_dim3A_45 masked %eq3A_442 {add = true} : memref<64x128xf32, #tpu.memory_space<vmem>>[vector<16xi32>, vector<16xi32>], vector<16xf32>, vector<16xi1>
    %eq3A_443 = arith.constant 14 : i32
    %eq3A_444 = vector.broadcast %eq3A_443 : i32 to vector<16xi32>
    %eq3A_445 = arith.cmpi eq, %iota3A, %eq3A_444 : vector<16xi32>
    tpu.vector_store_idx %arg10[%shift_right_logical3A_397, %and3A_400], %broadcast_in_dim3A_45 masked %eq3A_445 {add = true} : memref<64x128xf32, #tpu.memory_space<vmem>>[vector<16xi32>, vector<16xi32>], vector<16xf32>, vector<16xi1>
    %eq3A_446 = arith.constant 15 : i32
    %eq3A_447 = vector.broadcast %eq3A_446 : i32 to vector<16xi32>
    %eq3A_448 = arith.cmpi eq, %iota3A, %eq3A_447 : vector<16xi32>
    tpu.vector_store_idx %arg10[%shift_right_logical3A_397, %and3A_400], %broadcast_in_dim3A_45 masked %eq3A_448 {add = true} : memref<64x128xf32, #tpu.memory_space<vmem>>[vector<16xi32>, vector<16xi32>], vector<16xf32>, vector<16xi1>
    %get3A_449 = arith.constant 0 : i32
    %get3A_450 = arith.index_cast %get3A_449 : i32 to index
    %get3A_451 = arith.constant 112 : index
    %get3A_452 = tpu.vector_load %arg8[%get3A_450, %get3A_451] {strides = array<i32>} : memref<2x128xi32, #tpu.memory_space<vmem>>, vector<16xi32>,
    %shift_right_logical3A_453 = arith.constant 7 : i32
    %shift_right_logical3A_454 = vector.broadcast %shift_right_logical3A_453 : i32 to vector<16xi32>
    %shift_right_logical3A_455 = arith.shrui %get3A_452, %shift_right_logical3A_454 : vector<16xi32>
    %and3A_456 = arith.constant 127 : i32
    %and3A_457 = vector.broadcast %and3A_456 : i32 to vector<16xi32>
    %and3A_458 = arith.andi %get3A_452, %and3A_457 : vector<16xi32>
    %eq3A_459 = arith.constant 0 : i32
    %eq3A_460 = vector.broadcast %eq3A_459 : i32 to vector<16xi32>
    %eq3A_461 = arith.cmpi eq, %iota3A, %eq3A_460 : vector<16xi32>
    tpu.vector_store_idx %arg10[%shift_right_logical3A_455, %and3A_458], %broadcast_in_dim3A_45 masked %eq3A_461 {add = true} : memref<64x128xf32, #tpu.memory_space<vmem>>[vector<16xi32>, vector<16xi32>], vector<16xf32>, vector<16xi1>
    %eq3A_462 = arith.constant 1 : i32
    %eq3A_463 = vector.broadcast %eq3A_462 : i32 to vector<16xi32>
    %eq3A_464 = arith.cmpi eq, %iota3A, %eq3A_463 : vector<16xi32>
    tpu.vector_store_idx %arg10[%shift_right_logical3A_455, %and3A_458], %broadcast_in_dim3A_45 masked %eq3A_464 {add = true} : memref<64x128xf32, #tpu.memory_space<vmem>>[vector<16xi32>, vector<16xi32>], vector<16xf32>, vector<16xi1>
    %eq3A_465 = arith.constant 2 : i32
    %eq3A_466 = vector.broadcast %eq3A_465 : i32 to vector<16xi32>
    %eq3A_467 = arith.cmpi eq, %iota3A, %eq3A_466 : vector<16xi32>
    tpu.vector_store_idx %arg10[%shift_right_logical3A_455, %and3A_458], %broadcast_in_dim3A_45 masked %eq3A_467 {add = true} : memref<64x128xf32, #tpu.memory_space<vmem>>[vector<16xi32>, vector<16xi32>], vector<16xf32>, vector<16xi1>
    %eq3A_468 = arith.constant 3 : i32
    %eq3A_469 = vector.broadcast %eq3A_468 : i32 to vector<16xi32>
    %eq3A_470 = arith.cmpi eq, %iota3A, %eq3A_469 : vector<16xi32>
    tpu.vector_store_idx %arg10[%shift_right_logical3A_455, %and3A_458], %broadcast_in_dim3A_45 masked %eq3A_470 {add = true} : memref<64x128xf32, #tpu.memory_space<vmem>>[vector<16xi32>, vector<16xi32>], vector<16xf32>, vector<16xi1>
    %eq3A_471 = arith.constant 4 : i32
    %eq3A_472 = vector.broadcast %eq3A_471 : i32 to vector<16xi32>
    %eq3A_473 = arith.cmpi eq, %iota3A, %eq3A_472 : vector<16xi32>
    tpu.vector_store_idx %arg10[%shift_right_logical3A_455, %and3A_458], %broadcast_in_dim3A_45 masked %eq3A_473 {add = true} : memref<64x128xf32, #tpu.memory_space<vmem>>[vector<16xi32>, vector<16xi32>], vector<16xf32>, vector<16xi1>
    %eq3A_474 = arith.constant 5 : i32
    %eq3A_475 = vector.broadcast %eq3A_474 : i32 to vector<16xi32>
    %eq3A_476 = arith.cmpi eq, %iota3A, %eq3A_475 : vector<16xi32>
    tpu.vector_store_idx %arg10[%shift_right_logical3A_455, %and3A_458], %broadcast_in_dim3A_45 masked %eq3A_476 {add = true} : memref<64x128xf32, #tpu.memory_space<vmem>>[vector<16xi32>, vector<16xi32>], vector<16xf32>, vector<16xi1>
    %eq3A_477 = arith.constant 6 : i32
    %eq3A_478 = vector.broadcast %eq3A_477 : i32 to vector<16xi32>
    %eq3A_479 = arith.cmpi eq, %iota3A, %eq3A_478 : vector<16xi32>
    tpu.vector_store_idx %arg10[%shift_right_logical3A_455, %and3A_458], %broadcast_in_dim3A_45 masked %eq3A_479 {add = true} : memref<64x128xf32, #tpu.memory_space<vmem>>[vector<16xi32>, vector<16xi32>], vector<16xf32>, vector<16xi1>
    %eq3A_480 = arith.constant 7 : i32
    %eq3A_481 = vector.broadcast %eq3A_480 : i32 to vector<16xi32>
    %eq3A_482 = arith.cmpi eq, %iota3A, %eq3A_481 : vector<16xi32>
    tpu.vector_store_idx %arg10[%shift_right_logical3A_455, %and3A_458], %broadcast_in_dim3A_45 masked %eq3A_482 {add = true} : memref<64x128xf32, #tpu.memory_space<vmem>>[vector<16xi32>, vector<16xi32>], vector<16xf32>, vector<16xi1>
    %eq3A_483 = arith.constant 8 : i32
    %eq3A_484 = vector.broadcast %eq3A_483 : i32 to vector<16xi32>
    %eq3A_485 = arith.cmpi eq, %iota3A, %eq3A_484 : vector<16xi32>
    tpu.vector_store_idx %arg10[%shift_right_logical3A_455, %and3A_458], %broadcast_in_dim3A_45 masked %eq3A_485 {add = true} : memref<64x128xf32, #tpu.memory_space<vmem>>[vector<16xi32>, vector<16xi32>], vector<16xf32>, vector<16xi1>
    %eq3A_486 = arith.constant 9 : i32
    %eq3A_487 = vector.broadcast %eq3A_486 : i32 to vector<16xi32>
    %eq3A_488 = arith.cmpi eq, %iota3A, %eq3A_487 : vector<16xi32>
    tpu.vector_store_idx %arg10[%shift_right_logical3A_455, %and3A_458], %broadcast_in_dim3A_45 masked %eq3A_488 {add = true} : memref<64x128xf32, #tpu.memory_space<vmem>>[vector<16xi32>, vector<16xi32>], vector<16xf32>, vector<16xi1>
    %eq3A_489 = arith.constant 10 : i32
    %eq3A_490 = vector.broadcast %eq3A_489 : i32 to vector<16xi32>
    %eq3A_491 = arith.cmpi eq, %iota3A, %eq3A_490 : vector<16xi32>
    tpu.vector_store_idx %arg10[%shift_right_logical3A_455, %and3A_458], %broadcast_in_dim3A_45 masked %eq3A_491 {add = true} : memref<64x128xf32, #tpu.memory_space<vmem>>[vector<16xi32>, vector<16xi32>], vector<16xf32>, vector<16xi1>
    %eq3A_492 = arith.constant 11 : i32
    %eq3A_493 = vector.broadcast %eq3A_492 : i32 to vector<16xi32>
    %eq3A_494 = arith.cmpi eq, %iota3A, %eq3A_493 : vector<16xi32>
    tpu.vector_store_idx %arg10[%shift_right_logical3A_455, %and3A_458], %broadcast_in_dim3A_45 masked %eq3A_494 {add = true} : memref<64x128xf32, #tpu.memory_space<vmem>>[vector<16xi32>, vector<16xi32>], vector<16xf32>, vector<16xi1>
    %eq3A_495 = arith.constant 12 : i32
    %eq3A_496 = vector.broadcast %eq3A_495 : i32 to vector<16xi32>
    %eq3A_497 = arith.cmpi eq, %iota3A, %eq3A_496 : vector<16xi32>
    tpu.vector_store_idx %arg10[%shift_right_logical3A_455, %and3A_458], %broadcast_in_dim3A_45 masked %eq3A_497 {add = true} : memref<64x128xf32, #tpu.memory_space<vmem>>[vector<16xi32>, vector<16xi32>], vector<16xf32>, vector<16xi1>
    %eq3A_498 = arith.constant 13 : i32
    %eq3A_499 = vector.broadcast %eq3A_498 : i32 to vector<16xi32>
    %eq3A_500 = arith.cmpi eq, %iota3A, %eq3A_499 : vector<16xi32>
    tpu.vector_store_idx %arg10[%shift_right_logical3A_455, %and3A_458], %broadcast_in_dim3A_45 masked %eq3A_500 {add = true} : memref<64x128xf32, #tpu.memory_space<vmem>>[vector<16xi32>, vector<16xi32>], vector<16xf32>, vector<16xi1>
    %eq3A_501 = arith.constant 14 : i32
    %eq3A_502 = vector.broadcast %eq3A_501 : i32 to vector<16xi32>
    %eq3A_503 = arith.cmpi eq, %iota3A, %eq3A_502 : vector<16xi32>
    tpu.vector_store_idx %arg10[%shift_right_logical3A_455, %and3A_458], %broadcast_in_dim3A_45 masked %eq3A_503 {add = true} : memref<64x128xf32, #tpu.memory_space<vmem>>[vector<16xi32>, vector<16xi32>], vector<16xf32>, vector<16xi1>
    %eq3A_504 = arith.constant 15 : i32
    %eq3A_505 = vector.broadcast %eq3A_504 : i32 to vector<16xi32>
    %eq3A_506 = arith.cmpi eq, %iota3A, %eq3A_505 : vector<16xi32>
    tpu.vector_store_idx %arg10[%shift_right_logical3A_455, %and3A_458], %broadcast_in_dim3A_45 masked %eq3A_506 {add = true} : memref<64x128xf32, #tpu.memory_space<vmem>>[vector<16xi32>, vector<16xi32>], vector<16xf32>, vector<16xi1>
    %get3A_507 = arith.constant 1 : i32
    %get3A_508 = arith.index_cast %get3A_507 : i32 to index
    %get3A_509 = arith.constant 0 : index
    %get3A_510 = tpu.vector_load %arg8[%get3A_508, %get3A_509] {strides = array<i32>} : memref<2x128xi32, #tpu.memory_space<vmem>>, vector<16xi32>,
    %shift_right_logical3A_511 = arith.constant 7 : i32
    %shift_right_logical3A_512 = vector.broadcast %shift_right_logical3A_511 : i32 to vector<16xi32>
    %shift_right_logical3A_513 = arith.shrui %get3A_510, %shift_right_logical3A_512 : vector<16xi32>
    %and3A_514 = arith.constant 127 : i32
    %and3A_515 = vector.broadcast %and3A_514 : i32 to vector<16xi32>
    %and3A_516 = arith.andi %get3A_510, %and3A_515 : vector<16xi32>
    %eq3A_517 = arith.constant 0 : i32
    %eq3A_518 = vector.broadcast %eq3A_517 : i32 to vector<16xi32>
    %eq3A_519 = arith.cmpi eq, %iota3A, %eq3A_518 : vector<16xi32>
    tpu.vector_store_idx %arg10[%shift_right_logical3A_513, %and3A_516], %broadcast_in_dim3A_45 masked %eq3A_519 {add = true} : memref<64x128xf32, #tpu.memory_space<vmem>>[vector<16xi32>, vector<16xi32>], vector<16xf32>, vector<16xi1>
    %eq3A_520 = arith.constant 1 : i32
    %eq3A_521 = vector.broadcast %eq3A_520 : i32 to vector<16xi32>
    %eq3A_522 = arith.cmpi eq, %iota3A, %eq3A_521 : vector<16xi32>
    tpu.vector_store_idx %arg10[%shift_right_logical3A_513, %and3A_516], %broadcast_in_dim3A_45 masked %eq3A_522 {add = true} : memref<64x128xf32, #tpu.memory_space<vmem>>[vector<16xi32>, vector<16xi32>], vector<16xf32>, vector<16xi1>
    %eq3A_523 = arith.constant 2 : i32
    %eq3A_524 = vector.broadcast %eq3A_523 : i32 to vector<16xi32>
    %eq3A_525 = arith.cmpi eq, %iota3A, %eq3A_524 : vector<16xi32>
    tpu.vector_store_idx %arg10[%shift_right_logical3A_513, %and3A_516], %broadcast_in_dim3A_45 masked %eq3A_525 {add = true} : memref<64x128xf32, #tpu.memory_space<vmem>>[vector<16xi32>, vector<16xi32>], vector<16xf32>, vector<16xi1>
    %eq3A_526 = arith.constant 3 : i32
    %eq3A_527 = vector.broadcast %eq3A_526 : i32 to vector<16xi32>
    %eq3A_528 = arith.cmpi eq, %iota3A, %eq3A_527 : vector<16xi32>
    tpu.vector_store_idx %arg10[%shift_right_logical3A_513, %and3A_516], %broadcast_in_dim3A_45 masked %eq3A_528 {add = true} : memref<64x128xf32, #tpu.memory_space<vmem>>[vector<16xi32>, vector<16xi32>], vector<16xf32>, vector<16xi1>
    %eq3A_529 = arith.constant 4 : i32
    %eq3A_530 = vector.broadcast %eq3A_529 : i32 to vector<16xi32>
    %eq3A_531 = arith.cmpi eq, %iota3A, %eq3A_530 : vector<16xi32>
    tpu.vector_store_idx %arg10[%shift_right_logical3A_513, %and3A_516], %broadcast_in_dim3A_45 masked %eq3A_531 {add = true} : memref<64x128xf32, #tpu.memory_space<vmem>>[vector<16xi32>, vector<16xi32>], vector<16xf32>, vector<16xi1>
    %eq3A_532 = arith.constant 5 : i32
    %eq3A_533 = vector.broadcast %eq3A_532 : i32 to vector<16xi32>
    %eq3A_534 = arith.cmpi eq, %iota3A, %eq3A_533 : vector<16xi32>
    tpu.vector_store_idx %arg10[%shift_right_logical3A_513, %and3A_516], %broadcast_in_dim3A_45 masked %eq3A_534 {add = true} : memref<64x128xf32, #tpu.memory_space<vmem>>[vector<16xi32>, vector<16xi32>], vector<16xf32>, vector<16xi1>
    %eq3A_535 = arith.constant 6 : i32
    %eq3A_536 = vector.broadcast %eq3A_535 : i32 to vector<16xi32>
    %eq3A_537 = arith.cmpi eq, %iota3A, %eq3A_536 : vector<16xi32>
    tpu.vector_store_idx %arg10[%shift_right_logical3A_513, %and3A_516], %broadcast_in_dim3A_45 masked %eq3A_537 {add = true} : memref<64x128xf32, #tpu.memory_space<vmem>>[vector<16xi32>, vector<16xi32>], vector<16xf32>, vector<16xi1>
    %eq3A_538 = arith.constant 7 : i32
    %eq3A_539 = vector.broadcast %eq3A_538 : i32 to vector<16xi32>
    %eq3A_540 = arith.cmpi eq, %iota3A, %eq3A_539 : vector<16xi32>
    tpu.vector_store_idx %arg10[%shift_right_logical3A_513, %and3A_516], %broadcast_in_dim3A_45 masked %eq3A_540 {add = true} : memref<64x128xf32, #tpu.memory_space<vmem>>[vector<16xi32>, vector<16xi32>], vector<16xf32>, vector<16xi1>
    %eq3A_541 = arith.constant 8 : i32
    %eq3A_542 = vector.broadcast %eq3A_541 : i32 to vector<16xi32>
    %eq3A_543 = arith.cmpi eq, %iota3A, %eq3A_542 : vector<16xi32>
    tpu.vector_store_idx %arg10[%shift_right_logical3A_513, %and3A_516], %broadcast_in_dim3A_45 masked %eq3A_543 {add = true} : memref<64x128xf32, #tpu.memory_space<vmem>>[vector<16xi32>, vector<16xi32>], vector<16xf32>, vector<16xi1>
    %eq3A_544 = arith.constant 9 : i32
    %eq3A_545 = vector.broadcast %eq3A_544 : i32 to vector<16xi32>
    %eq3A_546 = arith.cmpi eq, %iota3A, %eq3A_545 : vector<16xi32>
    tpu.vector_store_idx %arg10[%shift_right_logical3A_513, %and3A_516], %broadcast_in_dim3A_45 masked %eq3A_546 {add = true} : memref<64x128xf32, #tpu.memory_space<vmem>>[vector<16xi32>, vector<16xi32>], vector<16xf32>, vector<16xi1>
    %eq3A_547 = arith.constant 10 : i32
    %eq3A_548 = vector.broadcast %eq3A_547 : i32 to vector<16xi32>
    %eq3A_549 = arith.cmpi eq, %iota3A, %eq3A_548 : vector<16xi32>
    tpu.vector_store_idx %arg10[%shift_right_logical3A_513, %and3A_516], %broadcast_in_dim3A_45 masked %eq3A_549 {add = true} : memref<64x128xf32, #tpu.memory_space<vmem>>[vector<16xi32>, vector<16xi32>], vector<16xf32>, vector<16xi1>
    %eq3A_550 = arith.constant 11 : i32
    %eq3A_551 = vector.broadcast %eq3A_550 : i32 to vector<16xi32>
    %eq3A_552 = arith.cmpi eq, %iota3A, %eq3A_551 : vector<16xi32>
    tpu.vector_store_idx %arg10[%shift_right_logical3A_513, %and3A_516], %broadcast_in_dim3A_45 masked %eq3A_552 {add = true} : memref<64x128xf32, #tpu.memory_space<vmem>>[vector<16xi32>, vector<16xi32>], vector<16xf32>, vector<16xi1>
    %eq3A_553 = arith.constant 12 : i32
    %eq3A_554 = vector.broadcast %eq3A_553 : i32 to vector<16xi32>
    %eq3A_555 = arith.cmpi eq, %iota3A, %eq3A_554 : vector<16xi32>
    tpu.vector_store_idx %arg10[%shift_right_logical3A_513, %and3A_516], %broadcast_in_dim3A_45 masked %eq3A_555 {add = true} : memref<64x128xf32, #tpu.memory_space<vmem>>[vector<16xi32>, vector<16xi32>], vector<16xf32>, vector<16xi1>
    %eq3A_556 = arith.constant 13 : i32
    %eq3A_557 = vector.broadcast %eq3A_556 : i32 to vector<16xi32>
    %eq3A_558 = arith.cmpi eq, %iota3A, %eq3A_557 : vector<16xi32>
    tpu.vector_store_idx %arg10[%shift_right_logical3A_513, %and3A_516], %broadcast_in_dim3A_45 masked %eq3A_558 {add = true} : memref<64x128xf32, #tpu.memory_space<vmem>>[vector<16xi32>, vector<16xi32>], vector<16xf32>, vector<16xi1>
    %eq3A_559 = arith.constant 14 : i32
    %eq3A_560 = vector.broadcast %eq3A_559 : i32 to vector<16xi32>
    %eq3A_561 = arith.cmpi eq, %iota3A, %eq3A_560 : vector<16xi32>
    tpu.vector_store_idx %arg10[%shift_right_logical3A_513, %and3A_516], %broadcast_in_dim3A_45 masked %eq3A_561 {add = true} : memref<64x128xf32, #tpu.memory_space<vmem>>[vector<16xi32>, vector<16xi32>], vector<16xf32>, vector<16xi1>
    %eq3A_562 = arith.constant 15 : i32
    %eq3A_563 = vector.broadcast %eq3A_562 : i32 to vector<16xi32>
    %eq3A_564 = arith.cmpi eq, %iota3A, %eq3A_563 : vector<16xi32>
    tpu.vector_store_idx %arg10[%shift_right_logical3A_513, %and3A_516], %broadcast_in_dim3A_45 masked %eq3A_564 {add = true} : memref<64x128xf32, #tpu.memory_space<vmem>>[vector<16xi32>, vector<16xi32>], vector<16xf32>, vector<16xi1>
    %get3A_565 = arith.constant 1 : i32
    %get3A_566 = arith.index_cast %get3A_565 : i32 to index
    %get3A_567 = arith.constant 16 : index
    %get3A_568 = tpu.vector_load %arg8[%get3A_566, %get3A_567] {strides = array<i32>} : memref<2x128xi32, #tpu.memory_space<vmem>>, vector<16xi32>,
    %shift_right_logical3A_569 = arith.constant 7 : i32
    %shift_right_logical3A_570 = vector.broadcast %shift_right_logical3A_569 : i32 to vector<16xi32>
    %shift_right_logical3A_571 = arith.shrui %get3A_568, %shift_right_logical3A_570 : vector<16xi32>
    %and3A_572 = arith.constant 127 : i32
    %and3A_573 = vector.broadcast %and3A_572 : i32 to vector<16xi32>
    %and3A_574 = arith.andi %get3A_568, %and3A_573 : vector<16xi32>
    %eq3A_575 = arith.constant 0 : i32
    %eq3A_576 = vector.broadcast %eq3A_575 : i32 to vector<16xi32>
    %eq3A_577 = arith.cmpi eq, %iota3A, %eq3A_576 : vector<16xi32>
    tpu.vector_store_idx %arg10[%shift_right_logical3A_571, %and3A_574], %broadcast_in_dim3A_45 masked %eq3A_577 {add = true} : memref<64x128xf32, #tpu.memory_space<vmem>>[vector<16xi32>, vector<16xi32>], vector<16xf32>, vector<16xi1>
    %eq3A_578 = arith.constant 1 : i32
    %eq3A_579 = vector.broadcast %eq3A_578 : i32 to vector<16xi32>
    %eq3A_580 = arith.cmpi eq, %iota3A, %eq3A_579 : vector<16xi32>
    tpu.vector_store_idx %arg10[%shift_right_logical3A_571, %and3A_574], %broadcast_in_dim3A_45 masked %eq3A_580 {add = true} : memref<64x128xf32, #tpu.memory_space<vmem>>[vector<16xi32>, vector<16xi32>], vector<16xf32>, vector<16xi1>
    %eq3A_581 = arith.constant 2 : i32
    %eq3A_582 = vector.broadcast %eq3A_581 : i32 to vector<16xi32>
    %eq3A_583 = arith.cmpi eq, %iota3A, %eq3A_582 : vector<16xi32>
    tpu.vector_store_idx %arg10[%shift_right_logical3A_571, %and3A_574], %broadcast_in_dim3A_45 masked %eq3A_583 {add = true} : memref<64x128xf32, #tpu.memory_space<vmem>>[vector<16xi32>, vector<16xi32>], vector<16xf32>, vector<16xi1>
    %eq3A_584 = arith.constant 3 : i32
    %eq3A_585 = vector.broadcast %eq3A_584 : i32 to vector<16xi32>
    %eq3A_586 = arith.cmpi eq, %iota3A, %eq3A_585 : vector<16xi32>
    tpu.vector_store_idx %arg10[%shift_right_logical3A_571, %and3A_574], %broadcast_in_dim3A_45 masked %eq3A_586 {add = true} : memref<64x128xf32, #tpu.memory_space<vmem>>[vector<16xi32>, vector<16xi32>], vector<16xf32>, vector<16xi1>
    %eq3A_587 = arith.constant 4 : i32
    %eq3A_588 = vector.broadcast %eq3A_587 : i32 to vector<16xi32>
    %eq3A_589 = arith.cmpi eq, %iota3A, %eq3A_588 : vector<16xi32>
    tpu.vector_store_idx %arg10[%shift_right_logical3A_571, %and3A_574], %broadcast_in_dim3A_45 masked %eq3A_589 {add = true} : memref<64x128xf32, #tpu.memory_space<vmem>>[vector<16xi32>, vector<16xi32>], vector<16xf32>, vector<16xi1>
    %eq3A_590 = arith.constant 5 : i32
    %eq3A_591 = vector.broadcast %eq3A_590 : i32 to vector<16xi32>
    %eq3A_592 = arith.cmpi eq, %iota3A, %eq3A_591 : vector<16xi32>
    tpu.vector_store_idx %arg10[%shift_right_logical3A_571, %and3A_574], %broadcast_in_dim3A_45 masked %eq3A_592 {add = true} : memref<64x128xf32, #tpu.memory_space<vmem>>[vector<16xi32>, vector<16xi32>], vector<16xf32>, vector<16xi1>
    %eq3A_593 = arith.constant 6 : i32
    %eq3A_594 = vector.broadcast %eq3A_593 : i32 to vector<16xi32>
    %eq3A_595 = arith.cmpi eq, %iota3A, %eq3A_594 : vector<16xi32>
    tpu.vector_store_idx %arg10[%shift_right_logical3A_571, %and3A_574], %broadcast_in_dim3A_45 masked %eq3A_595 {add = true} : memref<64x128xf32, #tpu.memory_space<vmem>>[vector<16xi32>, vector<16xi32>], vector<16xf32>, vector<16xi1>
    %eq3A_596 = arith.constant 7 : i32
    %eq3A_597 = vector.broadcast %eq3A_596 : i32 to vector<16xi32>
    %eq3A_598 = arith.cmpi eq, %iota3A, %eq3A_597 : vector<16xi32>
    tpu.vector_store_idx %arg10[%shift_right_logical3A_571, %and3A_574], %broadcast_in_dim3A_45 masked %eq3A_598 {add = true} : memref<64x128xf32, #tpu.memory_space<vmem>>[vector<16xi32>, vector<16xi32>], vector<16xf32>, vector<16xi1>
    %eq3A_599 = arith.constant 8 : i32
    %eq3A_600 = vector.broadcast %eq3A_599 : i32 to vector<16xi32>
    %eq3A_601 = arith.cmpi eq, %iota3A, %eq3A_600 : vector<16xi32>
    tpu.vector_store_idx %arg10[%shift_right_logical3A_571, %and3A_574], %broadcast_in_dim3A_45 masked %eq3A_601 {add = true} : memref<64x128xf32, #tpu.memory_space<vmem>>[vector<16xi32>, vector<16xi32>], vector<16xf32>, vector<16xi1>
    %eq3A_602 = arith.constant 9 : i32
    %eq3A_603 = vector.broadcast %eq3A_602 : i32 to vector<16xi32>
    %eq3A_604 = arith.cmpi eq, %iota3A, %eq3A_603 : vector<16xi32>
    tpu.vector_store_idx %arg10[%shift_right_logical3A_571, %and3A_574], %broadcast_in_dim3A_45 masked %eq3A_604 {add = true} : memref<64x128xf32, #tpu.memory_space<vmem>>[vector<16xi32>, vector<16xi32>], vector<16xf32>, vector<16xi1>
    %eq3A_605 = arith.constant 10 : i32
    %eq3A_606 = vector.broadcast %eq3A_605 : i32 to vector<16xi32>
    %eq3A_607 = arith.cmpi eq, %iota3A, %eq3A_606 : vector<16xi32>
    tpu.vector_store_idx %arg10[%shift_right_logical3A_571, %and3A_574], %broadcast_in_dim3A_45 masked %eq3A_607 {add = true} : memref<64x128xf32, #tpu.memory_space<vmem>>[vector<16xi32>, vector<16xi32>], vector<16xf32>, vector<16xi1>
    %eq3A_608 = arith.constant 11 : i32
    %eq3A_609 = vector.broadcast %eq3A_608 : i32 to vector<16xi32>
    %eq3A_610 = arith.cmpi eq, %iota3A, %eq3A_609 : vector<16xi32>
    tpu.vector_store_idx %arg10[%shift_right_logical3A_571, %and3A_574], %broadcast_in_dim3A_45 masked %eq3A_610 {add = true} : memref<64x128xf32, #tpu.memory_space<vmem>>[vector<16xi32>, vector<16xi32>], vector<16xf32>, vector<16xi1>
    %eq3A_611 = arith.constant 12 : i32
    %eq3A_612 = vector.broadcast %eq3A_611 : i32 to vector<16xi32>
    %eq3A_613 = arith.cmpi eq, %iota3A, %eq3A_612 : vector<16xi32>
    tpu.vector_store_idx %arg10[%shift_right_logical3A_571, %and3A_574], %broadcast_in_dim3A_45 masked %eq3A_613 {add = true} : memref<64x128xf32, #tpu.memory_space<vmem>>[vector<16xi32>, vector<16xi32>], vector<16xf32>, vector<16xi1>
    %eq3A_614 = arith.constant 13 : i32
    %eq3A_615 = vector.broadcast %eq3A_614 : i32 to vector<16xi32>
    %eq3A_616 = arith.cmpi eq, %iota3A, %eq3A_615 : vector<16xi32>
    tpu.vector_store_idx %arg10[%shift_right_logical3A_571, %and3A_574], %broadcast_in_dim3A_45 masked %eq3A_616 {add = true} : memref<64x128xf32, #tpu.memory_space<vmem>>[vector<16xi32>, vector<16xi32>], vector<16xf32>, vector<16xi1>
    %eq3A_617 = arith.constant 14 : i32
    %eq3A_618 = vector.broadcast %eq3A_617 : i32 to vector<16xi32>
    %eq3A_619 = arith.cmpi eq, %iota3A, %eq3A_618 : vector<16xi32>
    tpu.vector_store_idx %arg10[%shift_right_logical3A_571, %and3A_574], %broadcast_in_dim3A_45 masked %eq3A_619 {add = true} : memref<64x128xf32, #tpu.memory_space<vmem>>[vector<16xi32>, vector<16xi32>], vector<16xf32>, vector<16xi1>
    %eq3A_620 = arith.constant 15 : i32
    %eq3A_621 = vector.broadcast %eq3A_620 : i32 to vector<16xi32>
    %eq3A_622 = arith.cmpi eq, %iota3A, %eq3A_621 : vector<16xi32>
    tpu.vector_store_idx %arg10[%shift_right_logical3A_571, %and3A_574], %broadcast_in_dim3A_45 masked %eq3A_622 {add = true} : memref<64x128xf32, #tpu.memory_space<vmem>>[vector<16xi32>, vector<16xi32>], vector<16xf32>, vector<16xi1>
    %get3A_623 = arith.constant 1 : i32
    %get3A_624 = arith.index_cast %get3A_623 : i32 to index
    %get3A_625 = arith.constant 32 : index
    %get3A_626 = tpu.vector_load %arg8[%get3A_624, %get3A_625] {strides = array<i32>} : memref<2x128xi32, #tpu.memory_space<vmem>>, vector<16xi32>,
    %shift_right_logical3A_627 = arith.constant 7 : i32
    %shift_right_logical3A_628 = vector.broadcast %shift_right_logical3A_627 : i32 to vector<16xi32>
    %shift_right_logical3A_629 = arith.shrui %get3A_626, %shift_right_logical3A_628 : vector<16xi32>
    %and3A_630 = arith.constant 127 : i32
    %and3A_631 = vector.broadcast %and3A_630 : i32 to vector<16xi32>
    %and3A_632 = arith.andi %get3A_626, %and3A_631 : vector<16xi32>
    %eq3A_633 = arith.constant 0 : i32
    %eq3A_634 = vector.broadcast %eq3A_633 : i32 to vector<16xi32>
    %eq3A_635 = arith.cmpi eq, %iota3A, %eq3A_634 : vector<16xi32>
    tpu.vector_store_idx %arg10[%shift_right_logical3A_629, %and3A_632], %broadcast_in_dim3A_45 masked %eq3A_635 {add = true} : memref<64x128xf32, #tpu.memory_space<vmem>>[vector<16xi32>, vector<16xi32>], vector<16xf32>, vector<16xi1>
    %eq3A_636 = arith.constant 1 : i32
    %eq3A_637 = vector.broadcast %eq3A_636 : i32 to vector<16xi32>
    %eq3A_638 = arith.cmpi eq, %iota3A, %eq3A_637 : vector<16xi32>
    tpu.vector_store_idx %arg10[%shift_right_logical3A_629, %and3A_632], %broadcast_in_dim3A_45 masked %eq3A_638 {add = true} : memref<64x128xf32, #tpu.memory_space<vmem>>[vector<16xi32>, vector<16xi32>], vector<16xf32>, vector<16xi1>
    %eq3A_639 = arith.constant 2 : i32
    %eq3A_640 = vector.broadcast %eq3A_639 : i32 to vector<16xi32>
    %eq3A_641 = arith.cmpi eq, %iota3A, %eq3A_640 : vector<16xi32>
    tpu.vector_store_idx %arg10[%shift_right_logical3A_629, %and3A_632], %broadcast_in_dim3A_45 masked %eq3A_641 {add = true} : memref<64x128xf32, #tpu.memory_space<vmem>>[vector<16xi32>, vector<16xi32>], vector<16xf32>, vector<16xi1>
    %eq3A_642 = arith.constant 3 : i32
    %eq3A_643 = vector.broadcast %eq3A_642 : i32 to vector<16xi32>
    %eq3A_644 = arith.cmpi eq, %iota3A, %eq3A_643 : vector<16xi32>
    tpu.vector_store_idx %arg10[%shift_right_logical3A_629, %and3A_632], %broadcast_in_dim3A_45 masked %eq3A_644 {add = true} : memref<64x128xf32, #tpu.memory_space<vmem>>[vector<16xi32>, vector<16xi32>], vector<16xf32>, vector<16xi1>
    %eq3A_645 = arith.constant 4 : i32
    %eq3A_646 = vector.broadcast %eq3A_645 : i32 to vector<16xi32>
    %eq3A_647 = arith.cmpi eq, %iota3A, %eq3A_646 : vector<16xi32>
    tpu.vector_store_idx %arg10[%shift_right_logical3A_629, %and3A_632], %broadcast_in_dim3A_45 masked %eq3A_647 {add = true} : memref<64x128xf32, #tpu.memory_space<vmem>>[vector<16xi32>, vector<16xi32>], vector<16xf32>, vector<16xi1>
    %eq3A_648 = arith.constant 5 : i32
    %eq3A_649 = vector.broadcast %eq3A_648 : i32 to vector<16xi32>
    %eq3A_650 = arith.cmpi eq, %iota3A, %eq3A_649 : vector<16xi32>
    tpu.vector_store_idx %arg10[%shift_right_logical3A_629, %and3A_632], %broadcast_in_dim3A_45 masked %eq3A_650 {add = true} : memref<64x128xf32, #tpu.memory_space<vmem>>[vector<16xi32>, vector<16xi32>], vector<16xf32>, vector<16xi1>
    %eq3A_651 = arith.constant 6 : i32
    %eq3A_652 = vector.broadcast %eq3A_651 : i32 to vector<16xi32>
    %eq3A_653 = arith.cmpi eq, %iota3A, %eq3A_652 : vector<16xi32>
    tpu.vector_store_idx %arg10[%shift_right_logical3A_629, %and3A_632], %broadcast_in_dim3A_45 masked %eq3A_653 {add = true} : memref<64x128xf32, #tpu.memory_space<vmem>>[vector<16xi32>, vector<16xi32>], vector<16xf32>, vector<16xi1>
    %eq3A_654 = arith.constant 7 : i32
    %eq3A_655 = vector.broadcast %eq3A_654 : i32 to vector<16xi32>
    %eq3A_656 = arith.cmpi eq, %iota3A, %eq3A_655 : vector<16xi32>
    tpu.vector_store_idx %arg10[%shift_right_logical3A_629, %and3A_632], %broadcast_in_dim3A_45 masked %eq3A_656 {add = true} : memref<64x128xf32, #tpu.memory_space<vmem>>[vector<16xi32>, vector<16xi32>], vector<16xf32>, vector<16xi1>
    %eq3A_657 = arith.constant 8 : i32
    %eq3A_658 = vector.broadcast %eq3A_657 : i32 to vector<16xi32>
    %eq3A_659 = arith.cmpi eq, %iota3A, %eq3A_658 : vector<16xi32>
    tpu.vector_store_idx %arg10[%shift_right_logical3A_629, %and3A_632], %broadcast_in_dim3A_45 masked %eq3A_659 {add = true} : memref<64x128xf32, #tpu.memory_space<vmem>>[vector<16xi32>, vector<16xi32>], vector<16xf32>, vector<16xi1>
    %eq3A_660 = arith.constant 9 : i32
    %eq3A_661 = vector.broadcast %eq3A_660 : i32 to vector<16xi32>
    %eq3A_662 = arith.cmpi eq, %iota3A, %eq3A_661 : vector<16xi32>
    tpu.vector_store_idx %arg10[%shift_right_logical3A_629, %and3A_632], %broadcast_in_dim3A_45 masked %eq3A_662 {add = true} : memref<64x128xf32, #tpu.memory_space<vmem>>[vector<16xi32>, vector<16xi32>], vector<16xf32>, vector<16xi1>
    %eq3A_663 = arith.constant 10 : i32
    %eq3A_664 = vector.broadcast %eq3A_663 : i32 to vector<16xi32>
    %eq3A_665 = arith.cmpi eq, %iota3A, %eq3A_664 : vector<16xi32>
    tpu.vector_store_idx %arg10[%shift_right_logical3A_629, %and3A_632], %broadcast_in_dim3A_45 masked %eq3A_665 {add = true} : memref<64x128xf32, #tpu.memory_space<vmem>>[vector<16xi32>, vector<16xi32>], vector<16xf32>, vector<16xi1>
    %eq3A_666 = arith.constant 11 : i32
    %eq3A_667 = vector.broadcast %eq3A_666 : i32 to vector<16xi32>
    %eq3A_668 = arith.cmpi eq, %iota3A, %eq3A_667 : vector<16xi32>
    tpu.vector_store_idx %arg10[%shift_right_logical3A_629, %and3A_632], %broadcast_in_dim3A_45 masked %eq3A_668 {add = true} : memref<64x128xf32, #tpu.memory_space<vmem>>[vector<16xi32>, vector<16xi32>], vector<16xf32>, vector<16xi1>
    %eq3A_669 = arith.constant 12 : i32
    %eq3A_670 = vector.broadcast %eq3A_669 : i32 to vector<16xi32>
    %eq3A_671 = arith.cmpi eq, %iota3A, %eq3A_670 : vector<16xi32>
    tpu.vector_store_idx %arg10[%shift_right_logical3A_629, %and3A_632], %broadcast_in_dim3A_45 masked %eq3A_671 {add = true} : memref<64x128xf32, #tpu.memory_space<vmem>>[vector<16xi32>, vector<16xi32>], vector<16xf32>, vector<16xi1>
    %eq3A_672 = arith.constant 13 : i32
    %eq3A_673 = vector.broadcast %eq3A_672 : i32 to vector<16xi32>
    %eq3A_674 = arith.cmpi eq, %iota3A, %eq3A_673 : vector<16xi32>
    tpu.vector_store_idx %arg10[%shift_right_logical3A_629, %and3A_632], %broadcast_in_dim3A_45 masked %eq3A_674 {add = true} : memref<64x128xf32, #tpu.memory_space<vmem>>[vector<16xi32>, vector<16xi32>], vector<16xf32>, vector<16xi1>
    %eq3A_675 = arith.constant 14 : i32
    %eq3A_676 = vector.broadcast %eq3A_675 : i32 to vector<16xi32>
    %eq3A_677 = arith.cmpi eq, %iota3A, %eq3A_676 : vector<16xi32>
    tpu.vector_store_idx %arg10[%shift_right_logical3A_629, %and3A_632], %broadcast_in_dim3A_45 masked %eq3A_677 {add = true} : memref<64x128xf32, #tpu.memory_space<vmem>>[vector<16xi32>, vector<16xi32>], vector<16xf32>, vector<16xi1>
    %eq3A_678 = arith.constant 15 : i32
    %eq3A_679 = vector.broadcast %eq3A_678 : i32 to vector<16xi32>
    %eq3A_680 = arith.cmpi eq, %iota3A, %eq3A_679 : vector<16xi32>
    tpu.vector_store_idx %arg10[%shift_right_logical3A_629, %and3A_632], %broadcast_in_dim3A_45 masked %eq3A_680 {add = true} : memref<64x128xf32, #tpu.memory_space<vmem>>[vector<16xi32>, vector<16xi32>], vector<16xf32>, vector<16xi1>
    %get3A_681 = arith.constant 1 : i32
    %get3A_682 = arith.index_cast %get3A_681 : i32 to index
    %get3A_683 = arith.constant 48 : index
    %get3A_684 = tpu.vector_load %arg8[%get3A_682, %get3A_683] {strides = array<i32>} : memref<2x128xi32, #tpu.memory_space<vmem>>, vector<16xi32>,
    %shift_right_logical3A_685 = arith.constant 7 : i32
    %shift_right_logical3A_686 = vector.broadcast %shift_right_logical3A_685 : i32 to vector<16xi32>
    %shift_right_logical3A_687 = arith.shrui %get3A_684, %shift_right_logical3A_686 : vector<16xi32>
    %and3A_688 = arith.constant 127 : i32
    %and3A_689 = vector.broadcast %and3A_688 : i32 to vector<16xi32>
    %and3A_690 = arith.andi %get3A_684, %and3A_689 : vector<16xi32>
    %eq3A_691 = arith.constant 0 : i32
    %eq3A_692 = vector.broadcast %eq3A_691 : i32 to vector<16xi32>
    %eq3A_693 = arith.cmpi eq, %iota3A, %eq3A_692 : vector<16xi32>
    tpu.vector_store_idx %arg10[%shift_right_logical3A_687, %and3A_690], %broadcast_in_dim3A_45 masked %eq3A_693 {add = true} : memref<64x128xf32, #tpu.memory_space<vmem>>[vector<16xi32>, vector<16xi32>], vector<16xf32>, vector<16xi1>
    %eq3A_694 = arith.constant 1 : i32
    %eq3A_695 = vector.broadcast %eq3A_694 : i32 to vector<16xi32>
    %eq3A_696 = arith.cmpi eq, %iota3A, %eq3A_695 : vector<16xi32>
    tpu.vector_store_idx %arg10[%shift_right_logical3A_687, %and3A_690], %broadcast_in_dim3A_45 masked %eq3A_696 {add = true} : memref<64x128xf32, #tpu.memory_space<vmem>>[vector<16xi32>, vector<16xi32>], vector<16xf32>, vector<16xi1>
    %eq3A_697 = arith.constant 2 : i32
    %eq3A_698 = vector.broadcast %eq3A_697 : i32 to vector<16xi32>
    %eq3A_699 = arith.cmpi eq, %iota3A, %eq3A_698 : vector<16xi32>
    tpu.vector_store_idx %arg10[%shift_right_logical3A_687, %and3A_690], %broadcast_in_dim3A_45 masked %eq3A_699 {add = true} : memref<64x128xf32, #tpu.memory_space<vmem>>[vector<16xi32>, vector<16xi32>], vector<16xf32>, vector<16xi1>
    %eq3A_700 = arith.constant 3 : i32
    %eq3A_701 = vector.broadcast %eq3A_700 : i32 to vector<16xi32>
    %eq3A_702 = arith.cmpi eq, %iota3A, %eq3A_701 : vector<16xi32>
    tpu.vector_store_idx %arg10[%shift_right_logical3A_687, %and3A_690], %broadcast_in_dim3A_45 masked %eq3A_702 {add = true} : memref<64x128xf32, #tpu.memory_space<vmem>>[vector<16xi32>, vector<16xi32>], vector<16xf32>, vector<16xi1>
    %eq3A_703 = arith.constant 4 : i32
    %eq3A_704 = vector.broadcast %eq3A_703 : i32 to vector<16xi32>
    %eq3A_705 = arith.cmpi eq, %iota3A, %eq3A_704 : vector<16xi32>
    tpu.vector_store_idx %arg10[%shift_right_logical3A_687, %and3A_690], %broadcast_in_dim3A_45 masked %eq3A_705 {add = true} : memref<64x128xf32, #tpu.memory_space<vmem>>[vector<16xi32>, vector<16xi32>], vector<16xf32>, vector<16xi1>
    %eq3A_706 = arith.constant 5 : i32
    %eq3A_707 = vector.broadcast %eq3A_706 : i32 to vector<16xi32>
    %eq3A_708 = arith.cmpi eq, %iota3A, %eq3A_707 : vector<16xi32>
    tpu.vector_store_idx %arg10[%shift_right_logical3A_687, %and3A_690], %broadcast_in_dim3A_45 masked %eq3A_708 {add = true} : memref<64x128xf32, #tpu.memory_space<vmem>>[vector<16xi32>, vector<16xi32>], vector<16xf32>, vector<16xi1>
    %eq3A_709 = arith.constant 6 : i32
    %eq3A_710 = vector.broadcast %eq3A_709 : i32 to vector<16xi32>
    %eq3A_711 = arith.cmpi eq, %iota3A, %eq3A_710 : vector<16xi32>
    tpu.vector_store_idx %arg10[%shift_right_logical3A_687, %and3A_690], %broadcast_in_dim3A_45 masked %eq3A_711 {add = true} : memref<64x128xf32, #tpu.memory_space<vmem>>[vector<16xi32>, vector<16xi32>], vector<16xf32>, vector<16xi1>
    %eq3A_712 = arith.constant 7 : i32
    %eq3A_713 = vector.broadcast %eq3A_712 : i32 to vector<16xi32>
    %eq3A_714 = arith.cmpi eq, %iota3A, %eq3A_713 : vector<16xi32>
    tpu.vector_store_idx %arg10[%shift_right_logical3A_687, %and3A_690], %broadcast_in_dim3A_45 masked %eq3A_714 {add = true} : memref<64x128xf32, #tpu.memory_space<vmem>>[vector<16xi32>, vector<16xi32>], vector<16xf32>, vector<16xi1>
    %eq3A_715 = arith.constant 8 : i32
    %eq3A_716 = vector.broadcast %eq3A_715 : i32 to vector<16xi32>
    %eq3A_717 = arith.cmpi eq, %iota3A, %eq3A_716 : vector<16xi32>
    tpu.vector_store_idx %arg10[%shift_right_logical3A_687, %and3A_690], %broadcast_in_dim3A_45 masked %eq3A_717 {add = true} : memref<64x128xf32, #tpu.memory_space<vmem>>[vector<16xi32>, vector<16xi32>], vector<16xf32>, vector<16xi1>
    %eq3A_718 = arith.constant 9 : i32
    %eq3A_719 = vector.broadcast %eq3A_718 : i32 to vector<16xi32>
    %eq3A_720 = arith.cmpi eq, %iota3A, %eq3A_719 : vector<16xi32>
    tpu.vector_store_idx %arg10[%shift_right_logical3A_687, %and3A_690], %broadcast_in_dim3A_45 masked %eq3A_720 {add = true} : memref<64x128xf32, #tpu.memory_space<vmem>>[vector<16xi32>, vector<16xi32>], vector<16xf32>, vector<16xi1>
    %eq3A_721 = arith.constant 10 : i32
    %eq3A_722 = vector.broadcast %eq3A_721 : i32 to vector<16xi32>
    %eq3A_723 = arith.cmpi eq, %iota3A, %eq3A_722 : vector<16xi32>
    tpu.vector_store_idx %arg10[%shift_right_logical3A_687, %and3A_690], %broadcast_in_dim3A_45 masked %eq3A_723 {add = true} : memref<64x128xf32, #tpu.memory_space<vmem>>[vector<16xi32>, vector<16xi32>], vector<16xf32>, vector<16xi1>
    %eq3A_724 = arith.constant 11 : i32
    %eq3A_725 = vector.broadcast %eq3A_724 : i32 to vector<16xi32>
    %eq3A_726 = arith.cmpi eq, %iota3A, %eq3A_725 : vector<16xi32>
    tpu.vector_store_idx %arg10[%shift_right_logical3A_687, %and3A_690], %broadcast_in_dim3A_45 masked %eq3A_726 {add = true} : memref<64x128xf32, #tpu.memory_space<vmem>>[vector<16xi32>, vector<16xi32>], vector<16xf32>, vector<16xi1>
    %eq3A_727 = arith.constant 12 : i32
    %eq3A_728 = vector.broadcast %eq3A_727 : i32 to vector<16xi32>
    %eq3A_729 = arith.cmpi eq, %iota3A, %eq3A_728 : vector<16xi32>
    tpu.vector_store_idx %arg10[%shift_right_logical3A_687, %and3A_690], %broadcast_in_dim3A_45 masked %eq3A_729 {add = true} : memref<64x128xf32, #tpu.memory_space<vmem>>[vector<16xi32>, vector<16xi32>], vector<16xf32>, vector<16xi1>
    %eq3A_730 = arith.constant 13 : i32
    %eq3A_731 = vector.broadcast %eq3A_730 : i32 to vector<16xi32>
    %eq3A_732 = arith.cmpi eq, %iota3A, %eq3A_731 : vector<16xi32>
    tpu.vector_store_idx %arg10[%shift_right_logical3A_687, %and3A_690], %broadcast_in_dim3A_45 masked %eq3A_732 {add = true} : memref<64x128xf32, #tpu.memory_space<vmem>>[vector<16xi32>, vector<16xi32>], vector<16xf32>, vector<16xi1>
    %eq3A_733 = arith.constant 14 : i32
    %eq3A_734 = vector.broadcast %eq3A_733 : i32 to vector<16xi32>
    %eq3A_735 = arith.cmpi eq, %iota3A, %eq3A_734 : vector<16xi32>
    tpu.vector_store_idx %arg10[%shift_right_logical3A_687, %and3A_690], %broadcast_in_dim3A_45 masked %eq3A_735 {add = true} : memref<64x128xf32, #tpu.memory_space<vmem>>[vector<16xi32>, vector<16xi32>], vector<16xf32>, vector<16xi1>
    %eq3A_736 = arith.constant 15 : i32
    %eq3A_737 = vector.broadcast %eq3A_736 : i32 to vector<16xi32>
    %eq3A_738 = arith.cmpi eq, %iota3A, %eq3A_737 : vector<16xi32>
    tpu.vector_store_idx %arg10[%shift_right_logical3A_687, %and3A_690], %broadcast_in_dim3A_45 masked %eq3A_738 {add = true} : memref<64x128xf32, #tpu.memory_space<vmem>>[vector<16xi32>, vector<16xi32>], vector<16xf32>, vector<16xi1>
    %get3A_739 = arith.constant 1 : i32
    %get3A_740 = arith.index_cast %get3A_739 : i32 to index
    %get3A_741 = arith.constant 64 : index
    %get3A_742 = tpu.vector_load %arg8[%get3A_740, %get3A_741] {strides = array<i32>} : memref<2x128xi32, #tpu.memory_space<vmem>>, vector<16xi32>,
    %shift_right_logical3A_743 = arith.constant 7 : i32
    %shift_right_logical3A_744 = vector.broadcast %shift_right_logical3A_743 : i32 to vector<16xi32>
    %shift_right_logical3A_745 = arith.shrui %get3A_742, %shift_right_logical3A_744 : vector<16xi32>
    %and3A_746 = arith.constant 127 : i32
    %and3A_747 = vector.broadcast %and3A_746 : i32 to vector<16xi32>
    %and3A_748 = arith.andi %get3A_742, %and3A_747 : vector<16xi32>
    %eq3A_749 = arith.constant 0 : i32
    %eq3A_750 = vector.broadcast %eq3A_749 : i32 to vector<16xi32>
    %eq3A_751 = arith.cmpi eq, %iota3A, %eq3A_750 : vector<16xi32>
    tpu.vector_store_idx %arg10[%shift_right_logical3A_745, %and3A_748], %broadcast_in_dim3A_45 masked %eq3A_751 {add = true} : memref<64x128xf32, #tpu.memory_space<vmem>>[vector<16xi32>, vector<16xi32>], vector<16xf32>, vector<16xi1>
    %eq3A_752 = arith.constant 1 : i32
    %eq3A_753 = vector.broadcast %eq3A_752 : i32 to vector<16xi32>
    %eq3A_754 = arith.cmpi eq, %iota3A, %eq3A_753 : vector<16xi32>
    tpu.vector_store_idx %arg10[%shift_right_logical3A_745, %and3A_748], %broadcast_in_dim3A_45 masked %eq3A_754 {add = true} : memref<64x128xf32, #tpu.memory_space<vmem>>[vector<16xi32>, vector<16xi32>], vector<16xf32>, vector<16xi1>
    %eq3A_755 = arith.constant 2 : i32
    %eq3A_756 = vector.broadcast %eq3A_755 : i32 to vector<16xi32>
    %eq3A_757 = arith.cmpi eq, %iota3A, %eq3A_756 : vector<16xi32>
    tpu.vector_store_idx %arg10[%shift_right_logical3A_745, %and3A_748], %broadcast_in_dim3A_45 masked %eq3A_757 {add = true} : memref<64x128xf32, #tpu.memory_space<vmem>>[vector<16xi32>, vector<16xi32>], vector<16xf32>, vector<16xi1>
    %eq3A_758 = arith.constant 3 : i32
    %eq3A_759 = vector.broadcast %eq3A_758 : i32 to vector<16xi32>
    %eq3A_760 = arith.cmpi eq, %iota3A, %eq3A_759 : vector<16xi32>
    tpu.vector_store_idx %arg10[%shift_right_logical3A_745, %and3A_748], %broadcast_in_dim3A_45 masked %eq3A_760 {add = true} : memref<64x128xf32, #tpu.memory_space<vmem>>[vector<16xi32>, vector<16xi32>], vector<16xf32>, vector<16xi1>
    %eq3A_761 = arith.constant 4 : i32
    %eq3A_762 = vector.broadcast %eq3A_761 : i32 to vector<16xi32>
    %eq3A_763 = arith.cmpi eq, %iota3A, %eq3A_762 : vector<16xi32>
    tpu.vector_store_idx %arg10[%shift_right_logical3A_745, %and3A_748], %broadcast_in_dim3A_45 masked %eq3A_763 {add = true} : memref<64x128xf32, #tpu.memory_space<vmem>>[vector<16xi32>, vector<16xi32>], vector<16xf32>, vector<16xi1>
    %eq3A_764 = arith.constant 5 : i32
    %eq3A_765 = vector.broadcast %eq3A_764 : i32 to vector<16xi32>
    %eq3A_766 = arith.cmpi eq, %iota3A, %eq3A_765 : vector<16xi32>
    tpu.vector_store_idx %arg10[%shift_right_logical3A_745, %and3A_748], %broadcast_in_dim3A_45 masked %eq3A_766 {add = true} : memref<64x128xf32, #tpu.memory_space<vmem>>[vector<16xi32>, vector<16xi32>], vector<16xf32>, vector<16xi1>
    %eq3A_767 = arith.constant 6 : i32
    %eq3A_768 = vector.broadcast %eq3A_767 : i32 to vector<16xi32>
    %eq3A_769 = arith.cmpi eq, %iota3A, %eq3A_768 : vector<16xi32>
    tpu.vector_store_idx %arg10[%shift_right_logical3A_745, %and3A_748], %broadcast_in_dim3A_45 masked %eq3A_769 {add = true} : memref<64x128xf32, #tpu.memory_space<vmem>>[vector<16xi32>, vector<16xi32>], vector<16xf32>, vector<16xi1>
    %eq3A_770 = arith.constant 7 : i32
    %eq3A_771 = vector.broadcast %eq3A_770 : i32 to vector<16xi32>
    %eq3A_772 = arith.cmpi eq, %iota3A, %eq3A_771 : vector<16xi32>
    tpu.vector_store_idx %arg10[%shift_right_logical3A_745, %and3A_748], %broadcast_in_dim3A_45 masked %eq3A_772 {add = true} : memref<64x128xf32, #tpu.memory_space<vmem>>[vector<16xi32>, vector<16xi32>], vector<16xf32>, vector<16xi1>
    %eq3A_773 = arith.constant 8 : i32
    %eq3A_774 = vector.broadcast %eq3A_773 : i32 to vector<16xi32>
    %eq3A_775 = arith.cmpi eq, %iota3A, %eq3A_774 : vector<16xi32>
    tpu.vector_store_idx %arg10[%shift_right_logical3A_745, %and3A_748], %broadcast_in_dim3A_45 masked %eq3A_775 {add = true} : memref<64x128xf32, #tpu.memory_space<vmem>>[vector<16xi32>, vector<16xi32>], vector<16xf32>, vector<16xi1>
    %eq3A_776 = arith.constant 9 : i32
    %eq3A_777 = vector.broadcast %eq3A_776 : i32 to vector<16xi32>
    %eq3A_778 = arith.cmpi eq, %iota3A, %eq3A_777 : vector<16xi32>
    tpu.vector_store_idx %arg10[%shift_right_logical3A_745, %and3A_748], %broadcast_in_dim3A_45 masked %eq3A_778 {add = true} : memref<64x128xf32, #tpu.memory_space<vmem>>[vector<16xi32>, vector<16xi32>], vector<16xf32>, vector<16xi1>
    %eq3A_779 = arith.constant 10 : i32
    %eq3A_780 = vector.broadcast %eq3A_779 : i32 to vector<16xi32>
    %eq3A_781 = arith.cmpi eq, %iota3A, %eq3A_780 : vector<16xi32>
    tpu.vector_store_idx %arg10[%shift_right_logical3A_745, %and3A_748], %broadcast_in_dim3A_45 masked %eq3A_781 {add = true} : memref<64x128xf32, #tpu.memory_space<vmem>>[vector<16xi32>, vector<16xi32>], vector<16xf32>, vector<16xi1>
    %eq3A_782 = arith.constant 11 : i32
    %eq3A_783 = vector.broadcast %eq3A_782 : i32 to vector<16xi32>
    %eq3A_784 = arith.cmpi eq, %iota3A, %eq3A_783 : vector<16xi32>
    tpu.vector_store_idx %arg10[%shift_right_logical3A_745, %and3A_748], %broadcast_in_dim3A_45 masked %eq3A_784 {add = true} : memref<64x128xf32, #tpu.memory_space<vmem>>[vector<16xi32>, vector<16xi32>], vector<16xf32>, vector<16xi1>
    %eq3A_785 = arith.constant 12 : i32
    %eq3A_786 = vector.broadcast %eq3A_785 : i32 to vector<16xi32>
    %eq3A_787 = arith.cmpi eq, %iota3A, %eq3A_786 : vector<16xi32>
    tpu.vector_store_idx %arg10[%shift_right_logical3A_745, %and3A_748], %broadcast_in_dim3A_45 masked %eq3A_787 {add = true} : memref<64x128xf32, #tpu.memory_space<vmem>>[vector<16xi32>, vector<16xi32>], vector<16xf32>, vector<16xi1>
    %eq3A_788 = arith.constant 13 : i32
    %eq3A_789 = vector.broadcast %eq3A_788 : i32 to vector<16xi32>
    %eq3A_790 = arith.cmpi eq, %iota3A, %eq3A_789 : vector<16xi32>
    tpu.vector_store_idx %arg10[%shift_right_logical3A_745, %and3A_748], %broadcast_in_dim3A_45 masked %eq3A_790 {add = true} : memref<64x128xf32, #tpu.memory_space<vmem>>[vector<16xi32>, vector<16xi32>], vector<16xf32>, vector<16xi1>
    %eq3A_791 = arith.constant 14 : i32
    %eq3A_792 = vector.broadcast %eq3A_791 : i32 to vector<16xi32>
    %eq3A_793 = arith.cmpi eq, %iota3A, %eq3A_792 : vector<16xi32>
    tpu.vector_store_idx %arg10[%shift_right_logical3A_745, %and3A_748], %broadcast_in_dim3A_45 masked %eq3A_793 {add = true} : memref<64x128xf32, #tpu.memory_space<vmem>>[vector<16xi32>, vector<16xi32>], vector<16xf32>, vector<16xi1>
    %eq3A_794 = arith.constant 15 : i32
    %eq3A_795 = vector.broadcast %eq3A_794 : i32 to vector<16xi32>
    %eq3A_796 = arith.cmpi eq, %iota3A, %eq3A_795 : vector<16xi32>
    tpu.vector_store_idx %arg10[%shift_right_logical3A_745, %and3A_748], %broadcast_in_dim3A_45 masked %eq3A_796 {add = true} : memref<64x128xf32, #tpu.memory_space<vmem>>[vector<16xi32>, vector<16xi32>], vector<16xf32>, vector<16xi1>
    %get3A_797 = arith.constant 1 : i32
    %get3A_798 = arith.index_cast %get3A_797 : i32 to index
    %get3A_799 = arith.constant 80 : index
    %get3A_800 = tpu.vector_load %arg8[%get3A_798, %get3A_799] {strides = array<i32>} : memref<2x128xi32, #tpu.memory_space<vmem>>, vector<16xi32>,
    %shift_right_logical3A_801 = arith.constant 7 : i32
    %shift_right_logical3A_802 = vector.broadcast %shift_right_logical3A_801 : i32 to vector<16xi32>
    %shift_right_logical3A_803 = arith.shrui %get3A_800, %shift_right_logical3A_802 : vector<16xi32>
    %and3A_804 = arith.constant 127 : i32
    %and3A_805 = vector.broadcast %and3A_804 : i32 to vector<16xi32>
    %and3A_806 = arith.andi %get3A_800, %and3A_805 : vector<16xi32>
    %eq3A_807 = arith.constant 0 : i32
    %eq3A_808 = vector.broadcast %eq3A_807 : i32 to vector<16xi32>
    %eq3A_809 = arith.cmpi eq, %iota3A, %eq3A_808 : vector<16xi32>
    tpu.vector_store_idx %arg10[%shift_right_logical3A_803, %and3A_806], %broadcast_in_dim3A_45 masked %eq3A_809 {add = true} : memref<64x128xf32, #tpu.memory_space<vmem>>[vector<16xi32>, vector<16xi32>], vector<16xf32>, vector<16xi1>
    %eq3A_810 = arith.constant 1 : i32
    %eq3A_811 = vector.broadcast %eq3A_810 : i32 to vector<16xi32>
    %eq3A_812 = arith.cmpi eq, %iota3A, %eq3A_811 : vector<16xi32>
    tpu.vector_store_idx %arg10[%shift_right_logical3A_803, %and3A_806], %broadcast_in_dim3A_45 masked %eq3A_812 {add = true} : memref<64x128xf32, #tpu.memory_space<vmem>>[vector<16xi32>, vector<16xi32>], vector<16xf32>, vector<16xi1>
    %eq3A_813 = arith.constant 2 : i32
    %eq3A_814 = vector.broadcast %eq3A_813 : i32 to vector<16xi32>
    %eq3A_815 = arith.cmpi eq, %iota3A, %eq3A_814 : vector<16xi32>
    tpu.vector_store_idx %arg10[%shift_right_logical3A_803, %and3A_806], %broadcast_in_dim3A_45 masked %eq3A_815 {add = true} : memref<64x128xf32, #tpu.memory_space<vmem>>[vector<16xi32>, vector<16xi32>], vector<16xf32>, vector<16xi1>
    %eq3A_816 = arith.constant 3 : i32
    %eq3A_817 = vector.broadcast %eq3A_816 : i32 to vector<16xi32>
    %eq3A_818 = arith.cmpi eq, %iota3A, %eq3A_817 : vector<16xi32>
    tpu.vector_store_idx %arg10[%shift_right_logical3A_803, %and3A_806], %broadcast_in_dim3A_45 masked %eq3A_818 {add = true} : memref<64x128xf32, #tpu.memory_space<vmem>>[vector<16xi32>, vector<16xi32>], vector<16xf32>, vector<16xi1>
    %eq3A_819 = arith.constant 4 : i32
    %eq3A_820 = vector.broadcast %eq3A_819 : i32 to vector<16xi32>
    %eq3A_821 = arith.cmpi eq, %iota3A, %eq3A_820 : vector<16xi32>
    tpu.vector_store_idx %arg10[%shift_right_logical3A_803, %and3A_806], %broadcast_in_dim3A_45 masked %eq3A_821 {add = true} : memref<64x128xf32, #tpu.memory_space<vmem>>[vector<16xi32>, vector<16xi32>], vector<16xf32>, vector<16xi1>
    %eq3A_822 = arith.constant 5 : i32
    %eq3A_823 = vector.broadcast %eq3A_822 : i32 to vector<16xi32>
    %eq3A_824 = arith.cmpi eq, %iota3A, %eq3A_823 : vector<16xi32>
    tpu.vector_store_idx %arg10[%shift_right_logical3A_803, %and3A_806], %broadcast_in_dim3A_45 masked %eq3A_824 {add = true} : memref<64x128xf32, #tpu.memory_space<vmem>>[vector<16xi32>, vector<16xi32>], vector<16xf32>, vector<16xi1>
    %eq3A_825 = arith.constant 6 : i32
    %eq3A_826 = vector.broadcast %eq3A_825 : i32 to vector<16xi32>
    %eq3A_827 = arith.cmpi eq, %iota3A, %eq3A_826 : vector<16xi32>
    tpu.vector_store_idx %arg10[%shift_right_logical3A_803, %and3A_806], %broadcast_in_dim3A_45 masked %eq3A_827 {add = true} : memref<64x128xf32, #tpu.memory_space<vmem>>[vector<16xi32>, vector<16xi32>], vector<16xf32>, vector<16xi1>
    %eq3A_828 = arith.constant 7 : i32
    %eq3A_829 = vector.broadcast %eq3A_828 : i32 to vector<16xi32>
    %eq3A_830 = arith.cmpi eq, %iota3A, %eq3A_829 : vector<16xi32>
    tpu.vector_store_idx %arg10[%shift_right_logical3A_803, %and3A_806], %broadcast_in_dim3A_45 masked %eq3A_830 {add = true} : memref<64x128xf32, #tpu.memory_space<vmem>>[vector<16xi32>, vector<16xi32>], vector<16xf32>, vector<16xi1>
    %eq3A_831 = arith.constant 8 : i32
    %eq3A_832 = vector.broadcast %eq3A_831 : i32 to vector<16xi32>
    %eq3A_833 = arith.cmpi eq, %iota3A, %eq3A_832 : vector<16xi32>
    tpu.vector_store_idx %arg10[%shift_right_logical3A_803, %and3A_806], %broadcast_in_dim3A_45 masked %eq3A_833 {add = true} : memref<64x128xf32, #tpu.memory_space<vmem>>[vector<16xi32>, vector<16xi32>], vector<16xf32>, vector<16xi1>
    %eq3A_834 = arith.constant 9 : i32
    %eq3A_835 = vector.broadcast %eq3A_834 : i32 to vector<16xi32>
    %eq3A_836 = arith.cmpi eq, %iota3A, %eq3A_835 : vector<16xi32>
    tpu.vector_store_idx %arg10[%shift_right_logical3A_803, %and3A_806], %broadcast_in_dim3A_45 masked %eq3A_836 {add = true} : memref<64x128xf32, #tpu.memory_space<vmem>>[vector<16xi32>, vector<16xi32>], vector<16xf32>, vector<16xi1>
    %eq3A_837 = arith.constant 10 : i32
    %eq3A_838 = vector.broadcast %eq3A_837 : i32 to vector<16xi32>
    %eq3A_839 = arith.cmpi eq, %iota3A, %eq3A_838 : vector<16xi32>
    tpu.vector_store_idx %arg10[%shift_right_logical3A_803, %and3A_806], %broadcast_in_dim3A_45 masked %eq3A_839 {add = true} : memref<64x128xf32, #tpu.memory_space<vmem>>[vector<16xi32>, vector<16xi32>], vector<16xf32>, vector<16xi1>
    %eq3A_840 = arith.constant 11 : i32
    %eq3A_841 = vector.broadcast %eq3A_840 : i32 to vector<16xi32>
    %eq3A_842 = arith.cmpi eq, %iota3A, %eq3A_841 : vector<16xi32>
    tpu.vector_store_idx %arg10[%shift_right_logical3A_803, %and3A_806], %broadcast_in_dim3A_45 masked %eq3A_842 {add = true} : memref<64x128xf32, #tpu.memory_space<vmem>>[vector<16xi32>, vector<16xi32>], vector<16xf32>, vector<16xi1>
    %eq3A_843 = arith.constant 12 : i32
    %eq3A_844 = vector.broadcast %eq3A_843 : i32 to vector<16xi32>
    %eq3A_845 = arith.cmpi eq, %iota3A, %eq3A_844 : vector<16xi32>
    tpu.vector_store_idx %arg10[%shift_right_logical3A_803, %and3A_806], %broadcast_in_dim3A_45 masked %eq3A_845 {add = true} : memref<64x128xf32, #tpu.memory_space<vmem>>[vector<16xi32>, vector<16xi32>], vector<16xf32>, vector<16xi1>
    %eq3A_846 = arith.constant 13 : i32
    %eq3A_847 = vector.broadcast %eq3A_846 : i32 to vector<16xi32>
    %eq3A_848 = arith.cmpi eq, %iota3A, %eq3A_847 : vector<16xi32>
    tpu.vector_store_idx %arg10[%shift_right_logical3A_803, %and3A_806], %broadcast_in_dim3A_45 masked %eq3A_848 {add = true} : memref<64x128xf32, #tpu.memory_space<vmem>>[vector<16xi32>, vector<16xi32>], vector<16xf32>, vector<16xi1>
    %eq3A_849 = arith.constant 14 : i32
    %eq3A_850 = vector.broadcast %eq3A_849 : i32 to vector<16xi32>
    %eq3A_851 = arith.cmpi eq, %iota3A, %eq3A_850 : vector<16xi32>
    tpu.vector_store_idx %arg10[%shift_right_logical3A_803, %and3A_806], %broadcast_in_dim3A_45 masked %eq3A_851 {add = true} : memref<64x128xf32, #tpu.memory_space<vmem>>[vector<16xi32>, vector<16xi32>], vector<16xf32>, vector<16xi1>
    %eq3A_852 = arith.constant 15 : i32
    %eq3A_853 = vector.broadcast %eq3A_852 : i32 to vector<16xi32>
    %eq3A_854 = arith.cmpi eq, %iota3A, %eq3A_853 : vector<16xi32>
    tpu.vector_store_idx %arg10[%shift_right_logical3A_803, %and3A_806], %broadcast_in_dim3A_45 masked %eq3A_854 {add = true} : memref<64x128xf32, #tpu.memory_space<vmem>>[vector<16xi32>, vector<16xi32>], vector<16xf32>, vector<16xi1>
    %get3A_855 = arith.constant 1 : i32
    %get3A_856 = arith.index_cast %get3A_855 : i32 to index
    %get3A_857 = arith.constant 96 : index
    %get3A_858 = tpu.vector_load %arg8[%get3A_856, %get3A_857] {strides = array<i32>} : memref<2x128xi32, #tpu.memory_space<vmem>>, vector<16xi32>,
    %shift_right_logical3A_859 = arith.constant 7 : i32
    %shift_right_logical3A_860 = vector.broadcast %shift_right_logical3A_859 : i32 to vector<16xi32>
    %shift_right_logical3A_861 = arith.shrui %get3A_858, %shift_right_logical3A_860 : vector<16xi32>
    %and3A_862 = arith.constant 127 : i32
    %and3A_863 = vector.broadcast %and3A_862 : i32 to vector<16xi32>
    %and3A_864 = arith.andi %get3A_858, %and3A_863 : vector<16xi32>
    %eq3A_865 = arith.constant 0 : i32
    %eq3A_866 = vector.broadcast %eq3A_865 : i32 to vector<16xi32>
    %eq3A_867 = arith.cmpi eq, %iota3A, %eq3A_866 : vector<16xi32>
    tpu.vector_store_idx %arg10[%shift_right_logical3A_861, %and3A_864], %broadcast_in_dim3A_45 masked %eq3A_867 {add = true} : memref<64x128xf32, #tpu.memory_space<vmem>>[vector<16xi32>, vector<16xi32>], vector<16xf32>, vector<16xi1>
    %eq3A_868 = arith.constant 1 : i32
    %eq3A_869 = vector.broadcast %eq3A_868 : i32 to vector<16xi32>
    %eq3A_870 = arith.cmpi eq, %iota3A, %eq3A_869 : vector<16xi32>
    tpu.vector_store_idx %arg10[%shift_right_logical3A_861, %and3A_864], %broadcast_in_dim3A_45 masked %eq3A_870 {add = true} : memref<64x128xf32, #tpu.memory_space<vmem>>[vector<16xi32>, vector<16xi32>], vector<16xf32>, vector<16xi1>
    %eq3A_871 = arith.constant 2 : i32
    %eq3A_872 = vector.broadcast %eq3A_871 : i32 to vector<16xi32>
    %eq3A_873 = arith.cmpi eq, %iota3A, %eq3A_872 : vector<16xi32>
    tpu.vector_store_idx %arg10[%shift_right_logical3A_861, %and3A_864], %broadcast_in_dim3A_45 masked %eq3A_873 {add = true} : memref<64x128xf32, #tpu.memory_space<vmem>>[vector<16xi32>, vector<16xi32>], vector<16xf32>, vector<16xi1>
    %eq3A_874 = arith.constant 3 : i32
    %eq3A_875 = vector.broadcast %eq3A_874 : i32 to vector<16xi32>
    %eq3A_876 = arith.cmpi eq, %iota3A, %eq3A_875 : vector<16xi32>
    tpu.vector_store_idx %arg10[%shift_right_logical3A_861, %and3A_864], %broadcast_in_dim3A_45 masked %eq3A_876 {add = true} : memref<64x128xf32, #tpu.memory_space<vmem>>[vector<16xi32>, vector<16xi32>], vector<16xf32>, vector<16xi1>
    %eq3A_877 = arith.constant 4 : i32
    %eq3A_878 = vector.broadcast %eq3A_877 : i32 to vector<16xi32>
    %eq3A_879 = arith.cmpi eq, %iota3A, %eq3A_878 : vector<16xi32>
    tpu.vector_store_idx %arg10[%shift_right_logical3A_861, %and3A_864], %broadcast_in_dim3A_45 masked %eq3A_879 {add = true} : memref<64x128xf32, #tpu.memory_space<vmem>>[vector<16xi32>, vector<16xi32>], vector<16xf32>, vector<16xi1>
    %eq3A_880 = arith.constant 5 : i32
    %eq3A_881 = vector.broadcast %eq3A_880 : i32 to vector<16xi32>
    %eq3A_882 = arith.cmpi eq, %iota3A, %eq3A_881 : vector<16xi32>
    tpu.vector_store_idx %arg10[%shift_right_logical3A_861, %and3A_864], %broadcast_in_dim3A_45 masked %eq3A_882 {add = true} : memref<64x128xf32, #tpu.memory_space<vmem>>[vector<16xi32>, vector<16xi32>], vector<16xf32>, vector<16xi1>
    %eq3A_883 = arith.constant 6 : i32
    %eq3A_884 = vector.broadcast %eq3A_883 : i32 to vector<16xi32>
    %eq3A_885 = arith.cmpi eq, %iota3A, %eq3A_884 : vector<16xi32>
    tpu.vector_store_idx %arg10[%shift_right_logical3A_861, %and3A_864], %broadcast_in_dim3A_45 masked %eq3A_885 {add = true} : memref<64x128xf32, #tpu.memory_space<vmem>>[vector<16xi32>, vector<16xi32>], vector<16xf32>, vector<16xi1>
    %eq3A_886 = arith.constant 7 : i32
    %eq3A_887 = vector.broadcast %eq3A_886 : i32 to vector<16xi32>
    %eq3A_888 = arith.cmpi eq, %iota3A, %eq3A_887 : vector<16xi32>
    tpu.vector_store_idx %arg10[%shift_right_logical3A_861, %and3A_864], %broadcast_in_dim3A_45 masked %eq3A_888 {add = true} : memref<64x128xf32, #tpu.memory_space<vmem>>[vector<16xi32>, vector<16xi32>], vector<16xf32>, vector<16xi1>
    %eq3A_889 = arith.constant 8 : i32
    %eq3A_890 = vector.broadcast %eq3A_889 : i32 to vector<16xi32>
    %eq3A_891 = arith.cmpi eq, %iota3A, %eq3A_890 : vector<16xi32>
    tpu.vector_store_idx %arg10[%shift_right_logical3A_861, %and3A_864], %broadcast_in_dim3A_45 masked %eq3A_891 {add = true} : memref<64x128xf32, #tpu.memory_space<vmem>>[vector<16xi32>, vector<16xi32>], vector<16xf32>, vector<16xi1>
    %eq3A_892 = arith.constant 9 : i32
    %eq3A_893 = vector.broadcast %eq3A_892 : i32 to vector<16xi32>
    %eq3A_894 = arith.cmpi eq, %iota3A, %eq3A_893 : vector<16xi32>
    tpu.vector_store_idx %arg10[%shift_right_logical3A_861, %and3A_864], %broadcast_in_dim3A_45 masked %eq3A_894 {add = true} : memref<64x128xf32, #tpu.memory_space<vmem>>[vector<16xi32>, vector<16xi32>], vector<16xf32>, vector<16xi1>
    %eq3A_895 = arith.constant 10 : i32
    %eq3A_896 = vector.broadcast %eq3A_895 : i32 to vector<16xi32>
    %eq3A_897 = arith.cmpi eq, %iota3A, %eq3A_896 : vector<16xi32>
    tpu.vector_store_idx %arg10[%shift_right_logical3A_861, %and3A_864], %broadcast_in_dim3A_45 masked %eq3A_897 {add = true} : memref<64x128xf32, #tpu.memory_space<vmem>>[vector<16xi32>, vector<16xi32>], vector<16xf32>, vector<16xi1>
    %eq3A_898 = arith.constant 11 : i32
    %eq3A_899 = vector.broadcast %eq3A_898 : i32 to vector<16xi32>
    %eq3A_900 = arith.cmpi eq, %iota3A, %eq3A_899 : vector<16xi32>
    tpu.vector_store_idx %arg10[%shift_right_logical3A_861, %and3A_864], %broadcast_in_dim3A_45 masked %eq3A_900 {add = true} : memref<64x128xf32, #tpu.memory_space<vmem>>[vector<16xi32>, vector<16xi32>], vector<16xf32>, vector<16xi1>
    %eq3A_901 = arith.constant 12 : i32
    %eq3A_902 = vector.broadcast %eq3A_901 : i32 to vector<16xi32>
    %eq3A_903 = arith.cmpi eq, %iota3A, %eq3A_902 : vector<16xi32>
    tpu.vector_store_idx %arg10[%shift_right_logical3A_861, %and3A_864], %broadcast_in_dim3A_45 masked %eq3A_903 {add = true} : memref<64x128xf32, #tpu.memory_space<vmem>>[vector<16xi32>, vector<16xi32>], vector<16xf32>, vector<16xi1>
    %eq3A_904 = arith.constant 13 : i32
    %eq3A_905 = vector.broadcast %eq3A_904 : i32 to vector<16xi32>
    %eq3A_906 = arith.cmpi eq, %iota3A, %eq3A_905 : vector<16xi32>
    tpu.vector_store_idx %arg10[%shift_right_logical3A_861, %and3A_864], %broadcast_in_dim3A_45 masked %eq3A_906 {add = true} : memref<64x128xf32, #tpu.memory_space<vmem>>[vector<16xi32>, vector<16xi32>], vector<16xf32>, vector<16xi1>
    %eq3A_907 = arith.constant 14 : i32
    %eq3A_908 = vector.broadcast %eq3A_907 : i32 to vector<16xi32>
    %eq3A_909 = arith.cmpi eq, %iota3A, %eq3A_908 : vector<16xi32>
    tpu.vector_store_idx %arg10[%shift_right_logical3A_861, %and3A_864], %broadcast_in_dim3A_45 masked %eq3A_909 {add = true} : memref<64x128xf32, #tpu.memory_space<vmem>>[vector<16xi32>, vector<16xi32>], vector<16xf32>, vector<16xi1>
    %eq3A_910 = arith.constant 15 : i32
    %eq3A_911 = vector.broadcast %eq3A_910 : i32 to vector<16xi32>
    %eq3A_912 = arith.cmpi eq, %iota3A, %eq3A_911 : vector<16xi32>
    tpu.vector_store_idx %arg10[%shift_right_logical3A_861, %and3A_864], %broadcast_in_dim3A_45 masked %eq3A_912 {add = true} : memref<64x128xf32, #tpu.memory_space<vmem>>[vector<16xi32>, vector<16xi32>], vector<16xf32>, vector<16xi1>
    %get3A_913 = arith.constant 1 : i32
    %get3A_914 = arith.index_cast %get3A_913 : i32 to index
    %get3A_915 = arith.constant 112 : index
    %get3A_916 = tpu.vector_load %arg8[%get3A_914, %get3A_915] {strides = array<i32>} : memref<2x128xi32, #tpu.memory_space<vmem>>, vector<16xi32>,
    %shift_right_logical3A_917 = arith.constant 7 : i32
    %shift_right_logical3A_918 = vector.broadcast %shift_right_logical3A_917 : i32 to vector<16xi32>
    %shift_right_logical3A_919 = arith.shrui %get3A_916, %shift_right_logical3A_918 : vector<16xi32>
    %and3A_920 = arith.constant 127 : i32
    %and3A_921 = vector.broadcast %and3A_920 : i32 to vector<16xi32>
    %and3A_922 = arith.andi %get3A_916, %and3A_921 : vector<16xi32>
    %eq3A_923 = arith.constant 0 : i32
    %eq3A_924 = vector.broadcast %eq3A_923 : i32 to vector<16xi32>
    %eq3A_925 = arith.cmpi eq, %iota3A, %eq3A_924 : vector<16xi32>
    tpu.vector_store_idx %arg10[%shift_right_logical3A_919, %and3A_922], %broadcast_in_dim3A_45 masked %eq3A_925 {add = true} : memref<64x128xf32, #tpu.memory_space<vmem>>[vector<16xi32>, vector<16xi32>], vector<16xf32>, vector<16xi1>
    %eq3A_926 = arith.constant 1 : i32
    %eq3A_927 = vector.broadcast %eq3A_926 : i32 to vector<16xi32>
    %eq3A_928 = arith.cmpi eq, %iota3A, %eq3A_927 : vector<16xi32>
    tpu.vector_store_idx %arg10[%shift_right_logical3A_919, %and3A_922], %broadcast_in_dim3A_45 masked %eq3A_928 {add = true} : memref<64x128xf32, #tpu.memory_space<vmem>>[vector<16xi32>, vector<16xi32>], vector<16xf32>, vector<16xi1>
    %eq3A_929 = arith.constant 2 : i32
    %eq3A_930 = vector.broadcast %eq3A_929 : i32 to vector<16xi32>
    %eq3A_931 = arith.cmpi eq, %iota3A, %eq3A_930 : vector<16xi32>
    tpu.vector_store_idx %arg10[%shift_right_logical3A_919, %and3A_922], %broadcast_in_dim3A_45 masked %eq3A_931 {add = true} : memref<64x128xf32, #tpu.memory_space<vmem>>[vector<16xi32>, vector<16xi32>], vector<16xf32>, vector<16xi1>
    %eq3A_932 = arith.constant 3 : i32
    %eq3A_933 = vector.broadcast %eq3A_932 : i32 to vector<16xi32>
    %eq3A_934 = arith.cmpi eq, %iota3A, %eq3A_933 : vector<16xi32>
    tpu.vector_store_idx %arg10[%shift_right_logical3A_919, %and3A_922], %broadcast_in_dim3A_45 masked %eq3A_934 {add = true} : memref<64x128xf32, #tpu.memory_space<vmem>>[vector<16xi32>, vector<16xi32>], vector<16xf32>, vector<16xi1>
    %eq3A_935 = arith.constant 4 : i32
    %eq3A_936 = vector.broadcast %eq3A_935 : i32 to vector<16xi32>
    %eq3A_937 = arith.cmpi eq, %iota3A, %eq3A_936 : vector<16xi32>
    tpu.vector_store_idx %arg10[%shift_right_logical3A_919, %and3A_922], %broadcast_in_dim3A_45 masked %eq3A_937 {add = true} : memref<64x128xf32, #tpu.memory_space<vmem>>[vector<16xi32>, vector<16xi32>], vector<16xf32>, vector<16xi1>
    %eq3A_938 = arith.constant 5 : i32
    %eq3A_939 = vector.broadcast %eq3A_938 : i32 to vector<16xi32>
    %eq3A_940 = arith.cmpi eq, %iota3A, %eq3A_939 : vector<16xi32>
    tpu.vector_store_idx %arg10[%shift_right_logical3A_919, %and3A_922], %broadcast_in_dim3A_45 masked %eq3A_940 {add = true} : memref<64x128xf32, #tpu.memory_space<vmem>>[vector<16xi32>, vector<16xi32>], vector<16xf32>, vector<16xi1>
    %eq3A_941 = arith.constant 6 : i32
    %eq3A_942 = vector.broadcast %eq3A_941 : i32 to vector<16xi32>
    %eq3A_943 = arith.cmpi eq, %iota3A, %eq3A_942 : vector<16xi32>
    tpu.vector_store_idx %arg10[%shift_right_logical3A_919, %and3A_922], %broadcast_in_dim3A_45 masked %eq3A_943 {add = true} : memref<64x128xf32, #tpu.memory_space<vmem>>[vector<16xi32>, vector<16xi32>], vector<16xf32>, vector<16xi1>
    %eq3A_944 = arith.constant 7 : i32
    %eq3A_945 = vector.broadcast %eq3A_944 : i32 to vector<16xi32>
    %eq3A_946 = arith.cmpi eq, %iota3A, %eq3A_945 : vector<16xi32>
    tpu.vector_store_idx %arg10[%shift_right_logical3A_919, %and3A_922], %broadcast_in_dim3A_45 masked %eq3A_946 {add = true} : memref<64x128xf32, #tpu.memory_space<vmem>>[vector<16xi32>, vector<16xi32>], vector<16xf32>, vector<16xi1>
    %eq3A_947 = arith.constant 8 : i32
    %eq3A_948 = vector.broadcast %eq3A_947 : i32 to vector<16xi32>
    %eq3A_949 = arith.cmpi eq, %iota3A, %eq3A_948 : vector<16xi32>
    tpu.vector_store_idx %arg10[%shift_right_logical3A_919, %and3A_922], %broadcast_in_dim3A_45 masked %eq3A_949 {add = true} : memref<64x128xf32, #tpu.memory_space<vmem>>[vector<16xi32>, vector<16xi32>], vector<16xf32>, vector<16xi1>
    %eq3A_950 = arith.constant 9 : i32
    %eq3A_951 = vector.broadcast %eq3A_950 : i32 to vector<16xi32>
    %eq3A_952 = arith.cmpi eq, %iota3A, %eq3A_951 : vector<16xi32>
    tpu.vector_store_idx %arg10[%shift_right_logical3A_919, %and3A_922], %broadcast_in_dim3A_45 masked %eq3A_952 {add = true} : memref<64x128xf32, #tpu.memory_space<vmem>>[vector<16xi32>, vector<16xi32>], vector<16xf32>, vector<16xi1>
    %eq3A_953 = arith.constant 10 : i32
    %eq3A_954 = vector.broadcast %eq3A_953 : i32 to vector<16xi32>
    %eq3A_955 = arith.cmpi eq, %iota3A, %eq3A_954 : vector<16xi32>
    tpu.vector_store_idx %arg10[%shift_right_logical3A_919, %and3A_922], %broadcast_in_dim3A_45 masked %eq3A_955 {add = true} : memref<64x128xf32, #tpu.memory_space<vmem>>[vector<16xi32>, vector<16xi32>], vector<16xf32>, vector<16xi1>
    %eq3A_956 = arith.constant 11 : i32
    %eq3A_957 = vector.broadcast %eq3A_956 : i32 to vector<16xi32>
    %eq3A_958 = arith.cmpi eq, %iota3A, %eq3A_957 : vector<16xi32>
    tpu.vector_store_idx %arg10[%shift_right_logical3A_919, %and3A_922], %broadcast_in_dim3A_45 masked %eq3A_958 {add = true} : memref<64x128xf32, #tpu.memory_space<vmem>>[vector<16xi32>, vector<16xi32>], vector<16xf32>, vector<16xi1>
    %eq3A_959 = arith.constant 12 : i32
    %eq3A_960 = vector.broadcast %eq3A_959 : i32 to vector<16xi32>
    %eq3A_961 = arith.cmpi eq, %iota3A, %eq3A_960 : vector<16xi32>
    tpu.vector_store_idx %arg10[%shift_right_logical3A_919, %and3A_922], %broadcast_in_dim3A_45 masked %eq3A_961 {add = true} : memref<64x128xf32, #tpu.memory_space<vmem>>[vector<16xi32>, vector<16xi32>], vector<16xf32>, vector<16xi1>
    %eq3A_962 = arith.constant 13 : i32
    %eq3A_963 = vector.broadcast %eq3A_962 : i32 to vector<16xi32>
    %eq3A_964 = arith.cmpi eq, %iota3A, %eq3A_963 : vector<16xi32>
    tpu.vector_store_idx %arg10[%shift_right_logical3A_919, %and3A_922], %broadcast_in_dim3A_45 masked %eq3A_964 {add = true} : memref<64x128xf32, #tpu.memory_space<vmem>>[vector<16xi32>, vector<16xi32>], vector<16xf32>, vector<16xi1>
    %eq3A_965 = arith.constant 14 : i32
    %eq3A_966 = vector.broadcast %eq3A_965 : i32 to vector<16xi32>
    %eq3A_967 = arith.cmpi eq, %iota3A, %eq3A_966 : vector<16xi32>
    tpu.vector_store_idx %arg10[%shift_right_logical3A_919, %and3A_922], %broadcast_in_dim3A_45 masked %eq3A_967 {add = true} : memref<64x128xf32, #tpu.memory_space<vmem>>[vector<16xi32>, vector<16xi32>], vector<16xf32>, vector<16xi1>
    %eq3A_968 = arith.constant 15 : i32
    %eq3A_969 = vector.broadcast %eq3A_968 : i32 to vector<16xi32>
    %eq3A_970 = arith.cmpi eq, %iota3A, %eq3A_969 : vector<16xi32>
    tpu.vector_store_idx %arg10[%shift_right_logical3A_919, %and3A_922], %broadcast_in_dim3A_45 masked %eq3A_970 {add = true} : memref<64x128xf32, #tpu.memory_space<vmem>>[vector<16xi32>, vector<16xi32>], vector<16xf32>, vector<16xi1>
    %barrier3A = arith.constant 0 : index
    tpu.barrier barrier_id(%barrier3A)
    "tpu.region"() ({
      %run_scoped3A = tpu.sem_alloc : memref<!tpu.dma_semaphore, #tpu.memory_space<semaphore_mem>>
      %dma_start3A_977 = arith.constant 0 : i32
      %dma_start3A_978 = arith.constant 0 : i32
      %dma_start3A_979 = tpu.memref_slice %arg12[%dma_start3A_977, %dma_start3A_978] : memref<64x128xf32, #tpu.memory_space<vmem_shared>> -> memref<64x128xf32, #tpu.memory_space<vmem_shared>>
      tpu.enqueue_indirect_dma source(%arg10 : memref<64x128xf32, #tpu.memory_space<vmem>>) target(%dma_start3A_979 : memref<64x128xf32, #tpu.memory_space<vmem_shared>>) offsets(%arg11 : memref<64xi32, #tpu.memory_space<vmem>>) semaphore(%run_scoped3A : memref<!tpu.dma_semaphore, #tpu.memory_space<semaphore_mem>>) {add = true}
      %dma_wait3A_980 = arith.constant 0 : i32
      %dma_wait3A_981 = arith.constant 0 : i32
      %dma_wait3A_982 = tpu.memref_slice %arg12[%dma_wait3A_980, %dma_wait3A_981] : memref<64x128xf32, #tpu.memory_space<vmem_shared>> -> memref<64x128xf32, #tpu.memory_space<vmem_shared>>
      tpu.wait_indirect_dma semaphore(%run_scoped3A : memref<!tpu.dma_semaphore, #tpu.memory_space<semaphore_mem>>) src(%arg10 : memref<64x128xf32, #tpu.memory_space<vmem>>) dst(%dma_wait3A_982 : memref<64x128xf32, #tpu.memory_space<vmem_shared>>)
      tpu.yield
    }) : () -> ()
    %barrier3A_971 = arith.constant 0 : index
    tpu.barrier barrier_id(%barrier3A_971)
    %eq3A_972 = arith.constant 0 : i32
    %eq3A_973 = arith.cmpi eq, %arg1, %eq3A_972 : i32
    %convert_element_type3A_974 = arith.extui %eq3A_973 : i1 to i32
    %cond3A_975 = arith.constant 0 : i32
    %cond3A_976 = arith.cmpi ne, %convert_element_type3A_974, %cond3A_975 : i32
    scf.if %cond3A_976 {
      "tpu.region"() ({
        %run_scoped3A = tpu.sem_alloc : memref<!tpu.dma_semaphore, #tpu.memory_space<semaphore_mem>>
        %dma_start3A_977 = arith.constant 0 : i32
        %dma_start3A_978 = arith.constant 0 : i32
        %dma_start3A_979 = tpu.memref_slice %arg7[%arg0, %dma_start3A_977, %dma_start3A_978] : memref<2x64x128xf32, #tpu.memory_space<hbm>> -> memref<1x64x128xf32, #tpu.memory_space<hbm>>
        %dma_start3A_980 = tpu.memref_squeeze %dma_start3A_979 : memref<1x64x128xf32, #tpu.memory_space<hbm>> -> memref<64x128xf32, #tpu.memory_space<hbm>>
        tpu.enqueue_dma source(%arg12 : memref<64x128xf32, #tpu.memory_space<vmem_shared>>) target(%dma_start3A_980 : memref<64x128xf32, #tpu.memory_space<hbm>>) target_semaphore(%run_scoped3A : memref<!tpu.dma_semaphore, #tpu.memory_space<semaphore_mem>>)
        %dma_wait3A_981 = arith.constant 0 : i32
        %dma_wait3A_982 = arith.constant 0 : i32
        %dma_wait3A_983 = tpu.memref_slice %arg7[%arg0, %dma_wait3A_981, %dma_wait3A_982] : memref<2x64x128xf32, #tpu.memory_space<hbm>> -> memref<1x64x128xf32, #tpu.memory_space<hbm>>
        %dma_wait3A_984 = tpu.memref_squeeze %dma_wait3A_983 : memref<1x64x128xf32, #tpu.memory_space<hbm>> -> memref<64x128xf32, #tpu.memory_space<hbm>>
        tpu.wait_dma2 semaphore(%run_scoped3A : memref<!tpu.dma_semaphore, #tpu.memory_space<semaphore_mem>>) src(%arg12 : memref<64x128xf32, #tpu.memory_space<vmem_shared>>) dst(%dma_wait3A_984 : memref<64x128xf32, #tpu.memory_space<hbm>>)
        tpu.yield
      }) : () -> ()
    } else {
    }
    return
  }
}

module attributes {stable_mosaic.version = 14 : i64} {
  func.func @_dist_argmin_body(%arg0: i32, %arg1: memref<256x32xf32, #tpu.memory_space<vmem>>, %arg2: memref<8192x32xf32, #tpu.memory_space<vmem>>, %arg3: memref<256x1xf32, #tpu.memory_space<vmem>>, %arg4: memref<1x8192xf32, #tpu.memory_space<vmem>>, %arg5: memref<1x8x128xi32, #tpu.memory_space<vmem>>, %arg6: memref<1x8x128xf32, #tpu.memory_space<vmem>>) attributes {dimension_semantics = [#tpu.dimension_semantics<arbitrary>], iteration_bounds = array<i64: 32>, scalar_prefetch = 0 : i64, scratch_operands = 0 : i64, tpu.core_type = #tpu.core_type<tc>, window_params = [{transform_indices = @transform_0, window_bounds = array<i64: 256, 32>}, {pipeline_mode = #tpu.pipeline_mode<synchronous>, transform_indices = @transform_1, window_bounds = array<i64: 8192, 32>}, {transform_indices = @transform_2, window_bounds = array<i64: 256, 1>}, {pipeline_mode = #tpu.pipeline_mode<synchronous>, transform_indices = @transform_3, window_bounds = array<i64: 1, 8192>}, {transform_indices = @transform_4, window_bounds = array<i64: 1, 8, 128>}, {transform_indices = @transform_5, window_bounds = array<i64: 1, 8, 128>}]} {
    %get3A = arith.constant 0 : index
    %get3A_0 = arith.constant 0 : index
    %get3A_1 = vector.load %arg1[%get3A, %get3A_0] : memref<256x32xf32, #tpu.memory_space<vmem>>, vector<256x32xf32>
    %get3A_2 = arith.constant 0 : index
    %get3A_3 = arith.constant 0 : index
    %get3A_4 = vector.load %arg2[%get3A_2, %get3A_3] : memref<8192x32xf32, #tpu.memory_space<vmem>>, vector<8192x32xf32>
    %get3A_5 = arith.constant 0 : index
    %get3A_6 = arith.constant 0 : index
    %get3A_7 = vector.load %arg3[%get3A_5, %get3A_6] : memref<256x1xf32, #tpu.memory_space<vmem>>, vector<256x1xf32>
    %get3A_8 = arith.constant 0 : index
    %get3A_9 = arith.constant 0 : index
    %get3A_10 = vector.load %arg4[%get3A_8, %get3A_9] : memref<1x8192xf32, #tpu.memory_space<vmem>>, vector<1x8192xf32>
    %dot_general3A = arith.constant dense<0.000000e+00> : vector<256x8192xf32>
    %dot_general3A_11 = tpu.matmul %get3A_1, %get3A_4, %dot_general3A {dimension_numbers = #tpu.dot_dimension_numbers<[1], [1], [0], [0], [0, 0, 1, 0], [], []>, transpose_lhs_hint = false} : vector<256x32xf32>, vector<8192x32xf32>, vector<256x8192xf32> -> vector<256x8192xf32>
    %add3A = vector.broadcast %get3A_7 : vector<256x1xf32> to vector<256x8192xf32>
    %add3A_12 = vector.broadcast %get3A_10 : vector<1x8192xf32> to vector<256x8192xf32>
    %add3A_13 = arith.addf %add3A, %add3A_12 : vector<256x8192xf32>
    %mul3A = arith.constant 2.000000e+00 : f32
    %mul3A_14 = vector.broadcast %mul3A : f32 to vector<256x8192xf32>
    %mul3A_15 = arith.mulf %mul3A_14, %dot_general3A_11 : vector<256x8192xf32>
    %sub3A = arith.subf %add3A_13, %mul3A_15 : vector<256x8192xf32>
    %max3A = arith.constant 0.000000e+00 : f32
    %max3A_16 = vector.broadcast %max3A : f32 to vector<256x8192xf32>
    %max3A_17 = arith.maximumf %sub3A, %max3A_16 : vector<256x8192xf32>
    %reduce_min3A = arith.constant dense<0x7F800000> : vector<256xf32>
    %reduce_min3A_18 = vector.multi_reduction <minimumf>, %max3A_17, %reduce_min3A [1] : vector<256x8192xf32> to vector<256xf32>
    %broadcast_in_dim3A = vector.shape_cast %reduce_min3A_18 : vector<256xf32> to vector<256x1xf32>
    %iota3A = tpu.iota {dimensions = array<i32: 1>} : vector<256x8192xi32>
    %eq3A = vector.broadcast %broadcast_in_dim3A : vector<256x1xf32> to vector<256x8192xf32>
    %eq3A_19 = arith.cmpf oeq, %max3A_17, %eq3A : vector<256x8192xf32>
    %jit3A = arith.constant 8192 : i32
    %broadcast_in_dim3A_20 = vector.broadcast %jit3A : i32 to vector<256x8192xi32>
    %select_n3A = arith.select %eq3A_19, %iota3A, %broadcast_in_dim3A_20 : vector<256x8192xi1>, vector<256x8192xi32>
    %reduce_min3A_21 = arith.constant dense<2147483647> : vector<256xi32>
    %reduce_min3A_22 = vector.multi_reduction <minsi>, %select_n3A, %reduce_min3A_21 [1] : vector<256x8192xi32> to vector<256xi32>
    %reshape3A = vector.shape_cast %reduce_min3A_22 : vector<256xi32> to vector<2x128xi32>
    %broadcast_in_dim3A_23 = arith.constant 0 : i32
    %broadcast_in_dim3A_24 = vector.broadcast %broadcast_in_dim3A_23 : i32 to vector<6x128xi32>
    %concatenate3A = tpu.concatenate %reshape3A, %broadcast_in_dim3A_24 in 0 : vector<2x128xi32>, vector<6x128xi32> -> vector<8x128xi32>
    %swap3A = arith.constant 0 : index
    %swap3A_25 = arith.constant 0 : index
    %swap3A_26 = arith.constant 0 : index
    %swap3A_27 = vector.load %arg5[%swap3A, %swap3A_25, %swap3A_26] : memref<1x8x128xi32, #tpu.memory_space<vmem>>, vector<1x8x128xi32>
    %swap3A_28 = vector.shape_cast %swap3A_27 : vector<1x8x128xi32> to vector<8x128xi32>
    %swap3A_29 = vector.shape_cast %concatenate3A : vector<8x128xi32> to vector<1x8x128xi32>
    tpu.vector_store %arg5[%swap3A, %swap3A_25, %swap3A_26], %swap3A_29 {strides = array<i32>} : memref<1x8x128xi32, #tpu.memory_space<vmem>>, vector<1x8x128xi32>,
    %squeeze3A = vector.shape_cast %broadcast_in_dim3A : vector<256x1xf32> to vector<256xf32>
    %reshape3A_30 = vector.shape_cast %squeeze3A : vector<256xf32> to vector<2x128xf32>
    %broadcast_in_dim3A_31 = arith.constant 0.000000e+00 : f32
    %broadcast_in_dim3A_32 = vector.broadcast %broadcast_in_dim3A_31 : f32 to vector<6x128xf32>
    %concatenate3A_33 = tpu.concatenate %reshape3A_30, %broadcast_in_dim3A_32 in 0 : vector<2x128xf32>, vector<6x128xf32> -> vector<8x128xf32>
    %swap3A_34 = arith.constant 0 : index
    %swap3A_35 = arith.constant 0 : index
    %swap3A_36 = arith.constant 0 : index
    %swap3A_37 = vector.load %arg6[%swap3A_34, %swap3A_35, %swap3A_36] : memref<1x8x128xf32, #tpu.memory_space<vmem>>, vector<1x8x128xf32>
    %swap3A_38 = vector.shape_cast %swap3A_37 : vector<1x8x128xf32> to vector<8x128xf32>
    %swap3A_39 = vector.shape_cast %concatenate3A_33 : vector<8x128xf32> to vector<1x8x128xf32>
    tpu.vector_store %arg6[%swap3A_34, %swap3A_35, %swap3A_36], %swap3A_39 {strides = array<i32>} : memref<1x8x128xf32, #tpu.memory_space<vmem>>, vector<1x8x128xf32>,
    return
  }
  func.func @transform_0(%arg0: i32) -> (i32, i32) {
    %c0_i32 = arith.constant 0 : i32
    %c0_i32_0 = arith.constant 0 : i32
    return %arg0, %c0_i32 : i32, i32
  }
  func.func @transform_1(%arg0: i32) -> (i32, i32) {
    %c0_i32 = arith.constant 0 : i32
    %c0_i32_0 = arith.constant 0 : i32
    %c0_i32_1 = arith.constant 0 : i32
    return %c0_i32, %c0_i32_0 : i32, i32
  }
  func.func @transform_2(%arg0: i32) -> (i32, i32) {
    %c0_i32 = arith.constant 0 : i32
    %c0_i32_0 = arith.constant 0 : i32
    return %arg0, %c0_i32 : i32, i32
  }
  func.func @transform_3(%arg0: i32) -> (i32, i32) {
    %c0_i32 = arith.constant 0 : i32
    %c0_i32_0 = arith.constant 0 : i32
    %c0_i32_1 = arith.constant 0 : i32
    return %c0_i32, %c0_i32_0 : i32, i32
  }
  func.func @transform_4(%arg0: i32) -> (i32, i32, i32) {
    %c0_i32 = arith.constant 0 : i32
    %c0_i32_0 = arith.constant 0 : i32
    %c0_i32_1 = arith.constant 0 : i32
    return %arg0, %c0_i32, %c0_i32_0 : i32, i32, i32
  }
  func.func @transform_5(%arg0: i32) -> (i32, i32, i32) {
    %c0_i32 = arith.constant 0 : i32
    %c0_i32_0 = arith.constant 0 : i32
    %c0_i32_1 = arith.constant 0 : i32
    return %arg0, %c0_i32, %c0_i32_0 : i32, i32, i32
  }
}

module attributes {stable_mosaic.version = 14 : i64} {
  func.func @_final_body(%arg0: memref<256x128xf32, #tpu.memory_space<vmem>>, %arg1: memref<128x128xf32, #tpu.memory_space<vmem>>, %arg2: memref<1x1xf32, #tpu.memory_space<smem>>, %arg3: memref<1x1xf32, #tpu.memory_space<smem>>) attributes {dimension_semantics = [], scalar_prefetch = 0 : i64, scratch_operands = 0 : i64, tpu.core_type = #tpu.core_type<tc>} {
    %get3A = arith.constant 0 : index
    %get3A_0 = arith.constant 0 : index
    %get3A_1 = vector.load %arg0[%get3A, %get3A_0] : memref<256x128xf32, #tpu.memory_space<vmem>>, vector<256x128xf32>
    %reduce_sum3A = vector.shape_cast %get3A_1 : vector<256x128xf32> to vector<1x256x128xf32>
    %reduce_sum3A_2 = arith.constant dense<0.000000e+00> : vector<1xf32>
    %reduce_sum3A_3 = vector.multi_reduction <add>, %reduce_sum3A, %reduce_sum3A_2 [1, 2] : vector<1x256x128xf32> to vector<1xf32>
    %reduce_sum3A_4 = vector.shape_cast %reduce_sum3A_3 : vector<1xf32> to vector<1x1x1xf32>
    %reduce_sum3A_5 = vector.extract %reduce_sum3A_4[0, 0, 0] : f32 from vector<1x1x1xf32>
    %mul3A = arith.constant 4.76837158E-6 : f32
    %mul3A_6 = arith.mulf %reduce_sum3A_5, %mul3A : f32
    %swap3A = arith.constant 0 : index
    %swap3A_7 = arith.constant 0 : index
    %swap3A_8 = memref.load %arg2[%swap3A, %swap3A_7] : memref<1x1xf32, #tpu.memory_space<smem>>
    memref.store %mul3A_6, %arg2[%swap3A, %swap3A_7] : memref<1x1xf32, #tpu.memory_space<smem>>
    %get3A_9 = arith.constant 0 : index
    %get3A_10 = arith.constant 0 : index
    %get3A_11 = vector.load %arg1[%get3A_9, %get3A_10] : memref<128x128xf32, #tpu.memory_space<vmem>>, vector<128x128xf32>
    %slice3A = vector.extract_strided_slice %get3A_11 {offsets = [0, 0], sizes = [64, 128], strides = [1, 1]} : vector<128x128xf32> to vector<64x128xf32>
    %slice3A_12 = vector.extract_strided_slice %get3A_11 {offsets = [64, 0], sizes = [64, 128], strides = [1, 1]} : vector<128x128xf32> to vector<64x128xf32>
    %add3A = arith.addf %slice3A, %slice3A_12 : vector<64x128xf32>
    %mul3A_13 = arith.constant 1.22070313E-4 : f32
    %mul3A_14 = vector.broadcast %mul3A_13 : f32 to vector<64x128xf32>
    %mul3A_15 = arith.mulf %add3A, %mul3A_14 : vector<64x128xf32>
    %add3A_16 = arith.constant 1.000000e-10 : f32
    %add3A_17 = vector.broadcast %add3A_16 : f32 to vector<64x128xf32>
    %add3A_18 = arith.addf %mul3A_15, %add3A_17 : vector<64x128xf32>
    %log3A = math.log %add3A_18 : vector<64x128xf32>
    %mul3A_19 = arith.mulf %mul3A_15, %log3A : vector<64x128xf32>
    %reduce_sum3A_20 = vector.shape_cast %mul3A_19 : vector<64x128xf32> to vector<1x64x128xf32>
    %reduce_sum3A_21 = arith.constant dense<0.000000e+00> : vector<1xf32>
    %reduce_sum3A_22 = vector.multi_reduction <add>, %reduce_sum3A_20, %reduce_sum3A_21 [1, 2] : vector<1x64x128xf32> to vector<1xf32>
    %reduce_sum3A_23 = vector.shape_cast %reduce_sum3A_22 : vector<1xf32> to vector<1x1x1xf32>
    %reduce_sum3A_24 = vector.extract %reduce_sum3A_23[0, 0, 0] : f32 from vector<1x1x1xf32>
    %neg3A = arith.constant 0.000000e+00 : f32
    %neg3A_25 = arith.subf %neg3A, %reduce_sum3A_24 : f32
    %exp3A = math.exp %neg3A_25 : f32
    %swap3A_26 = arith.constant 0 : index
    %swap3A_27 = arith.constant 0 : index
    %swap3A_28 = memref.load %arg3[%swap3A_26, %swap3A_27] : memref<1x1xf32, #tpu.memory_space<smem>>
    memref.store %exp3A, %arg3[%swap3A_26, %swap3A_27] : memref<1x1xf32, #tpu.memory_space<smem>>
    return
  }
}

</mosaic_0001>

<sc_bundles>
// kernel: kernel.5.cloned.1.call-start
scs
__scs_entry_jumppad:
0x0: {  	(pc) =	sbr.rel $0x88, $3  }
0x1: {  	(tag) =	ssettag $0x0;
	lr =	simm.s32 $0x1  }
0x2: {  	[smem:$0x3F9F] =	sst lr;
	_ =	strace $0xD0000000  }
0x3: {  	_ = 	snop  }
0x4: {  	_ = 	snop  }
0x5: {  	_ = 	snop  }
0x6: {  	_ = 	snop  }
0x7: {  	_ = 	snop  }
__scs_overlays_trampoline_lowered:
0x8: {  	[smem:$0x3FAE] =	sst s0  }
0x9: {  	[smem:$0x3FAF] =	sst s1  }
0xa: {  	[smem:$0x3FB0] =	sst s2  }
0xb: {  	[smem:$0x3FB1] =	sst s3  }
0xc: {  	[smem:$0x3FB2] =	sst s4  }
0xd: {  	[smem:$0x3FB3] =	sst s5  }
0xe: {  	[smem:$0x3FB4] =	sst s6  }
0xf: {  	[smem:$0x3FB5] =	sst s7  }
0x10: {  	[smem:$0x3FB6] =	sst s8  }
0x11: {  	[smem:$0x3FB7] =	sst s9;
	s0 =	simm.s32 @!p0 $0x0  }
0x12: {  	s1 =	sld [smem:$0x3F9D];
	s0 =	simm.s32 @p0 $0x1  }
0x13: {  	[smem:$0x3FB8] =	sst s0;
	s0 =	simm.s32 @!p1 $0x0  }
0x14: {  	s2 =	sld [smem:$0x3F9C];
	s0 =	simm.s32 @p1 $0x1  }
0x15: {  	[smem:$0x3FB9] =	sst s0;
	s0 =	simm.s32 @!p2 $0x0  }
0x16: {  	s3 =	sld [smem:$0x3FDB];
	s0 =	simm.s32 @p2 $0x1  }
0x17: {  	s4 =	simm.s32 $0x1BF5;
	[smem:$0x3FBB] =	sst s0  }
0x18: {  	s0 =	sld [smem:$0x3F9E];
	_ =	swait.ge [sflag:s4], $0x0  }
0x19: {  	s7 =	sld [smem:$0x3F9F]  }
0x1a: {  	s8 =	sadd.s32 $0xFFFFE003, lr  }
0x1b: {  	s9 =	sadd.s32 $0xFFFFFEF7, lr;
	s5 =	simm.s32 $0xFFFFFFFF;
	p2 =	slt.u32 s8, $0xFFFFF086  }
0x1c: {  	p1 =	slt.u32 s9, $0xF7A;
	s5 =	simm.s32 @!p2 $0x0  }
0x1d: {  	s5 =	simm.s32 @p1 $0x1;
	p0 =	seq.s32 s7, s2  }
0x1e: {  	s7 =	smul.u32 @!p0 $0xF7A, s2;
	p2 =	seq.s32 @!p0 s5, $0x0  }
0x1f: {  	s9 =	smul.u32 $0xF7A, s1;
	s8 =	simm.s32 @!p0 $0x1BF5;
	p2 =	por !p2, p0  }
0x20: {  	[sflag:s8] =	ssyncset.s32 @!p0 $0xFFFFF086;
	s6 =	sadd.s32 @!p0 s3, s7;
	s7 =	simm.s32 @!p0 $0x108  }
0x21: {  	s3 =	sadd.s32 s3, s9;
	s6 =	sadd.s32 @!p0 $0x88, s6;
	s7 =	simm.s32 @p2 $0x1082  }
0x22: {  	[simem:s7], [sflag:s8] =	dma.local @!p0 [hbm:s6], $0xF7A  }
0x23: {  	s9 =	sor.u32 $0xD0000000, s2;
	s6 =	simm.s32 $0x108;
	_ =	swait.ge @!p0 [sflag:s8], $0x0  }
0x24: {  	s3 =	sadd.s32 $0x88, s3;
	s6 =	simm.s32 @!p1 $0x1082;
	[sflag:s4] =	ssyncset.s32 $0xFFFFF086  }
0x25: {  	[simem:s6], [sflag:s4] =	dma.local [hbm:s3], $0xF7A  }
0x26: {  	[smem:$0x3F9F] =	sst s1;
	(tag) =	ssettag s2;
	_ =	strace s9  }
0x27: {  	s1 =	sld [smem:$0x3FAF]  }
0x28: {  	s2 =	sld [smem:$0x3FB0]  }
0x29: {  	s4 =	sld [smem:$0x3FB2]  }
0x2a: {  	p0 =	seq.s32 s5, $0x0;
	s5 =	sld [smem:$0x3FB3]  }
0x2b: {  	s6 =	sld [smem:$0x3FB4]  }
0x2c: {  	s7 =	sld [smem:$0x3FB5]  }
0x2d: {  	s3 =	simm.s32 $0x108;
	s8 =	sld [smem:$0x3FB6]  }
0x2e: {  	s3 =	simm.s32 @!p0 $0x1082;
	s9 =	sld [smem:$0x3FB7]  }
0x2f: {  	lr =	sadd.s32 s0, s3;
	s0 =	sld [smem:$0x3FAE]  }
0x30: {  	s3 =	sld [smem:$0x3FB1]  }
0x31: {  	[smem:$0x3FBA] =	sst s10  }
0x32: {  	s10 =	sld [smem:$0x3FB8];
	_ =	sdelay $0x3  }
0x33: {  	p0 =	seq.s32 s10, $0x1;
	s10 =	sld [smem:$0x3FBA];
	_ =	sdelay $0x3  }
0x34: {  	[smem:$0x3FBA] =	sst s10  }
0x35: {  	s10 =	sld [smem:$0x3FB9];
	_ =	sdelay $0x3  }
0x36: {  	p1 =	seq.s32 s10, $0x1;
	s10 =	sld [smem:$0x3FBA];
	_ =	sdelay $0x3  }
0x37: {  	[smem:$0x3FBA] =	sst s10  }
0x38: {  	s10 =	sld [smem:$0x3FBB]  }
0x39: {  	_ = 	snop;
	(pc) =	sbr.ind lr, $3  }
0x3a: {  	_ = 	snop  }
0x3b: {  	_ = 	snop  }
0x3c: {  	p2 =	seq.s32 s10, $0x1;
	s10 =	sld [smem:$0x3FBA]  }
0x3d: {  	_ =	shalt  }
0x3e: {  	_ =	shalt  }
0x3f: {  	_ =	shalt  }
0x40: {  	_ =	shalt  }
0x41: {  	_ =	shalt  }
0x42: {  	_ =	shalt  }
0x43: {  	_ =	shalt  }
0x44: {  	_ =	shalt  }
0x45: {  	_ =	shalt  }
0x46: {  	_ =	shalt  }
0x47: {  	_ =	shalt  }
0x48: {  	_ =	shalt  }
0x49: {  	_ =	shalt  }
0x4a: {  	_ =	shalt  }
0x4b: {  	_ =	shalt  }
0x4c: {  	_ =	shalt  }
0x4d: {  	_ =	shalt  }
0x4e: {  	_ =	shalt  }
0x4f: {  	_ =	shalt  }
0x50: {  	_ =	shalt  }
0x51: {  	_ =	shalt  }
0x52: {  	_ =	shalt  }
0x53: {  	_ =	shalt  }
0x54: {  	_ =	shalt  }
0x55: {  	_ =	shalt  }
0x56: {  	_ =	shalt  }
0x57: {  	_ =	shalt  }
0x58: {  	_ =	shalt  }
0x59: {  	_ =	shalt  }
0x5a: {  	_ =	shalt  }
0x5b: {  	_ =	shalt  }
0x5c: {  	_ =	shalt  }
0x5d: {  	_ =	shalt  }
0x5e: {  	_ =	shalt  }
0x5f: {  	_ =	shalt  }
0x60: {  	_ =	shalt  }
0x61: {  	_ =	shalt  }
0x62: {  	_ =	shalt  }
0x63: {  	_ =	shalt  }
0x64: {  	_ =	shalt  }
0x65: {  	_ =	shalt  }
0x66: {  	_ =	shalt  }
0x67: {  	_ =	shalt  }
0x68: {  	_ =	shalt  }
0x69: {  	_ =	shalt  }
0x6a: {  	_ =	shalt  }
0x6b: {  	_ =	shalt  }
0x6c: {  	_ =	shalt  }
0x6d: {  	_ =	shalt  }
0x6e: {  	_ =	shalt  }
0x6f: {  	_ =	shalt  }
0x70: {  	_ =	shalt  }
0x71: {  	_ =	shalt  }
0x72: {  	_ =	shalt  }
0x73: {  	_ =	shalt  }
0x74: {  	_ =	shalt  }
0x75: {  	_ =	shalt  }
0x76: {  	_ =	shalt  }
0x77: {  	_ =	shalt  }
0x78: {  	_ =	shalt  }
0x79: {  	_ =	shalt  }
0x7a: {  	_ =	shalt  }
0x7b: {  	_ =	shalt  }
0x7c: {  	_ =	shalt  }
0x7d: {  	_ =	shalt  }
0x7e: {  	_ =	shalt  }
0x7f: {  	_ =	shalt  }
0x80: {  	_ =	shalt  }
0x81: {  	_ =	shalt  }
0x82: {  	_ =	shalt  }
0x83: {  	_ =	shalt  }
0x84: {  	_ =	shalt  }
0x85: {  	_ =	shalt  }
0x86: {  	_ =	shalt  }
0x87: {  	_ =	shalt  }
.Lfunc_end0:
.L_simem_size_0:
called_computation_lowered:
.L_overlay_start_0:
0x88: {  	s2 =	sld [smem:$0x3FD9]  }
0x89: {  	s3 =	sld [smem:$0x3FFE];
	_ =	sdelay $0x1  }
0x8a: {  	s1 =	srdreg.scid  }
0x8b: {  	s0 =	sand.u32 $0x1, s1  }
0x8c: {  	s14 =	sshll.u32 s0, $0xA;
	s2 =	sadd.s32 s3, s2  }
0x8d: {  	s2 =	sadd.s32 s2, s14  }
0x8e: {  	[smem:$0x3FC6] =	sst s2  }
0x8f: {  	_ = 	snop  }
0x90: {  	s2 =	sld [smem:$0x3FD0];
	_ =	sdelay $0x2  }
0x91: {  	s15 =	simm.s32 $0xA;
	s4 =	simm.s32 $0x10  }
0x92: {  	[smem:s4], [sflag:s15] =	dma.local [hbm:s2], $0x1  }
0x93: {  	_ =	swait.eq [sflag:s15], $0x1  }
0x94: {  	s16 =	sld [smem:$0x10];
	[sflag:s15] =	ssyncset.done $0x0  }
0x95: {  	s17 =	sld [smem:$0x12];
	[sflag:s15] =	ssyncadd.s32 $0xFFFFFFFF  }
0x96: {  	s18 =	sld [smem:$0x13];
	(tm) =	ssettm $0x1  }
0x97: {  	s5 =	sld [smem:$0x3FFB];
	_ =	sdelay $0x3  }
0x98: {  	_ =	strace s5  }
0x99: {  	s5 =	sld [smem:$0x3FFC];
	_ =	sdelay $0x3  }
0x9a: {  	_ =	strace s5  }
0x9b: {  	s5 =	sld [smem:$0x3FFD];
	_ =	sdelay $0x3  }
0x9c: {  	_ =	strace s5  }
0x9d: {  	_ =	strace $0x8FFFFFFF  }
0x9e: {  	s19 =	sld [smem:$0x3FDB];
	_ =	sdelay $0x1  }
0x9f: {  	s6 =	simm.s32 $_scs_section_size  }
0xa0: {  	s7 =	simm.s32 $_size__tile_overlayer_lowered;
	s8 =	simm.s32 $_tile_overlayer_lowered  }
0xa1: {  	s22 =	simm.s32 $0x1BFF;
	s21 =	sshll.u32 s8, $0x1;
	s5 =	sadd.s32 s6, s19  }
0xa2: {  	s9 =	simm.s32 $0x0;
	s20 =	sshll.u32 s7, $0x1;
	s7 =	sadd.s32 s21, s5  }
0xa3: {  	[timem:s9], [sflag:s22] =	dma.local [hbm:s7], s20  }
0xa4: {  	_ =	swait.ge [sflag:s22], s20  }
0xa5: {  	s6 =	ssub.s32 $0x0, s20;
	[sflag:s22] =	ssyncset.done $0x0  }
0xa6: {  	[sflag:s22] =	ssyncadd.s32 s6;
	_ =	sdelay $0x1  }
0xa7: {  	s23 =	simm.s32 $0x1B8B  }
0xa8: {  	_ =	swait.ge [sflag:s23], $0x1  }
0xa9: {  	[sflag:s23] =	ssyncset.done $0x0  }
0xaa: {  	s25 =	simm.s32 $0x1B8E;
	s24 =	sld [smem:$0x3FFE];
	[sflag:s23] =	ssyncadd.s32 $0xFFFFFFFF  }
0xab: {  	s26 =	simm.s32 $execute0_lowered;
	[smem:$0x3FD2] =	sst s25  }
0xac: {  	s7 =	sshll.u32 s26, $0x1;
	_ =	strace $0x80000046;
	[dreg:$0x1] =	wrdreg $0xFFFFFFFF  }
0xad: {  	s28 =	simm.s32 $_size_execute0_lowered;
	s5 =	sadd.s32 s5, s7;
	[dreg:$0x0] =	wrdreg $0x0  }
0xae: {  	s7 =	sshll.u32 s28, $0x1;
	[dreg:$0x2] =	wrdreg s5  }
0xaf: {  	[dreg:$0x3] =	wrdreg s7  }
0xb0: {  	[dreg:$0x4] =	wrdreg $0xC0  }
0xb1: {  	_ =	task [dreg:s9], $0x5FFFF  }
0xb2: {  	[dreg:$0x1] =	wrdreg $0xFFFFFFFF  }
0xb3: {  	[dreg:$0x0] =	wrdreg $0x60  }
0xb4: {  	[dreg:$0x2] =	wrdreg s24  }
0xb5: {  	[dreg:$0x3] =	wrdreg s18  }
0xb6: {  	[dreg:$0x4] =	wrdreg s17  }
0xb7: {  	[dreg:$0x5] =	wrdreg s16  }
0xb8: {  	[dreg:$0x6] =	wrdreg $0xA1800  }
0xb9: {  	[dreg:$0x7] =	wrdreg $0x9  }
0xba: {  	_ =	task.clear_ibuf [dreg:s9], $0x8FFFF;
	_ =	strace $0x90000046  }
0xbb: {  	s29 =	simm.s32 $0x9;
	_ =	strace $0x80000048  }
0xbc: {  	_ =	swait.ge [sflag:s29], $0x1  }
0xbd: {  	[sflag:s29] =	ssyncadd.s32 $0xFFFFFFFF  }
0xbe: {  	_ =	strace $0x90000048  }
0xbf: {  	_ =	sfence  }
0xc0: {  	s30 =	sld [smem:$0x0];
	_ =	sdelay $0x2  }
0xc1: {  	s31 =	sshll.u32 s1, $0xD;
	s1 =	sshrl.u32 s1, $0x2  }
0xc2: {  	s3 =	sand.u32 $0x4000, s31;
	s1 =	sadd.s32 s1, s30  }
0xc3: {  	s0 =	sor.u32 s3, s0;
	s1 =	sshll.u32 s1, $0x11  }
0xc4: {  	s0 =	sor.u32 s1, s0  }
0xc5: {  	s0 =	sadd.s32 $0x8F2B, s0  }
0xc6: {  	[sflag:s0] =	ssyncadd.remote.s32 $0x1  }
0xc7: {  	_ =	sfence.sel $0xFFFF  }
0xc8: {  	[dreg:$0x0] =	wrdreg $0xFFFFFFFF;
	(pc) =	sbr.abs _section_cstart, $3  }
0xc9: {  	[dreg:$0x1] =	wrdreg $0xFFFFFFFF  }
0xca: {  	_ =	task.clear_ibuf [dreg:s9], $0x2FFFF;
	_ =	strace $0x9FFFFFFF  }
0xcb: {  	(tm) =	ssettm $0x7FFFFFFF  }
tec
execute0_lowered:
.L_overlay_start_1:
0x0: {  	(tag) =	ssettag $0x1  }
0x1: {  	s6 =	rddreg [dreg:$0x0]  }
0x2: {  	s7 =	rddreg [dreg:$0x1]  }
0x3: {  	s1 =	rddreg [dreg:$0x2]  }
0x4: {  	s2 =	rddreg [dreg:$0x3]  }
0x5: {  	s3 =	rddreg [dreg:$0x4]  }
0x6: {  	s0 =	rddreg [dreg:$0x5];
	s5 =	srdreg.scid  }
0x7: {  	s10 =	stileid.u32;
	s4 =	simm.s32 $0x0;
	s14 =	simm.s32 $0x8100  }
0x8: {  	s15 =	simm.s32 $0xA100;
	s17 =	simm.s32 $0x1;
	s18 =	simm.s32 $0x40  }
0x9: {  	s8 =	sand.u32 $0x1, s5;
	s30 =	sshll.u32 s10, $0x1;
	[smem:$0x7FF] =	sst s4  }
0xa: {  	s5 =	sadd.s32 $0x800, s6;
	p0 =	sne.s32 s10, $0x0;
	s10 =	simm.s32 $0x2  }
0xb: {  	v0 =	vimm.f32 $1.000000000e+00;
	s9 =	sor.u32 s8, s30;
	_ =	strace $0x80000047;
	s12 =	sshll.u32 s8, $0xA  }
0xc: {  	vm0 =	vcmask $0x704;
	vm1 =	vcmask $0xB08;
	vm2 =	vcmask $0xF0C;
	s8 =	ssub.s32 $0x2, s8;
	s16 =	sshrl.u32 @!p0 s3, $0x3;
	s11 =	sshll.u32 s9, $0xC  }
0xd: {  	vm3 =	vcmask $0x1310;
	vm4 =	vcmask $0x1714;
	vm5 =	vcmask $0x1B18;
	s12 =	sadd.s32 s12, s6;
	s31 =	sshrl.u32 s8, $0x1;
	s9 =	sshll.u32 s9, $0x5  }
0xe: {  	vm6 =	vcmask $0x1F1C;
	vm7 =	vcmask $0x2320;
	vm8 =	vcmask $0x2724;
	s11 =	sadd.s32 s11, s6;
	s13 =	ssub.s32 s8, s31;
	s6 =	sadd.s32 s7, s9  }
0xf: {  	vm9 =	vcmask $0x2B28;
	vm10 =	vcmask $0x2F2C;
	vm11 =	vcmask $0x3330;
	s8 =	sadd.s32 $0x40800, s12;
	s12 =	simm.s32 $0x100;
	s7 =	sadd.s32 $0x20800, s11  }
0x10: {  	vm12 =	vcmask $0x3734;
	vm13 =	vcmask $0x3B38;
	vm14 =	vcmask $0x3F3C;
	s9 =	smax.u32 s13, $0x1;
	s11 =	simm.s32 $0x80;
	s13 =	simm.s32 $0x4100  }
.LBB2_1:
0x11: {  	[tilespmem:s4], [sflag:$0x2] =	stream.linear.gather [hbm4b:s6+s4], $0x100, $0x38;
	[tilespmem:$0xA380] =	vst v63  }
0x12: {  	_ =	swait.ge [sflag:s10], $0x100  }
0x13: {  	[sflag:s10] =	ssyncset.done $0x0  }
0x14: {  	[sflag:s10] =	ssyncadd.s32 $0xFFFFFF00  }
0x15: {  	[tilespmem:s12], [sflag:$0x1] =	stream.indirect.gather [hbm4b:s5+s11], $0x80, s4, s11, $0xb8;
	[tilespmem:$0xA380] =	vst v63  }
0x16: {  	_ = 	snop  }
0x17: {  	[tilespmem:s13], [sflag:$0x1] =	stream.indirect.gather [hbm4b:s5+s11], $0x80, s11, s11, $0xb8;
	[tilespmem:$0xA380] =	vst v63  }
0x18: {  	_ = 	snop  }
0x19: {  	[tilespmem:s14], [sflag:$0x2] =	stream.linear.gather [hbm4b:s2+s4], $0x2000, $0x38;
	[tilespmem:$0xA380] =	vst v63  }
0x1a: {  	_ =	swait.ge [sflag:s10], $0x2000  }
0x1b: {  	[sflag:s10] =	ssyncset.done $0x0  }
0x1c: {  	[sflag:s10] =	ssyncadd.s32 $0xFFFFE000  }
0x1d: {  	[tilespmem:s15], [sflag:$0x2] =	stream.linear.gather [hbm4b:s1+s4], $0x80, $0x38;
	[tilespmem:$0xA380] =	vst v63  }
0x1e: {  	_ =	swait.ge [sflag:s10], $0x80  }
0x1f: {  	[sflag:s10] =	ssyncset.done $0x0  }
0x20: {  	s20 =	simm.s32 @!p0 $0x1C02;
	s19 =	simm.s32 @!p0 $0x2;
	[sflag:s10] =	ssyncadd.s32 $0xFFFFFF80  }
0x21: {  	[spmem:s16], [sflag:s20] =	dma.local @!p0 [hbm:s2], $0x400  }
0x22: {  	_ =	swait.ge @!p0 [sflag:s19], $0x400  }
0x23: {  	[sflag:s19] =	ssyncset.done @!p0 $0x0  }
0x24: {  	[sflag:s19] =	ssyncadd.s32 @!p0 $0xFFFFFC00  }
0x25: {  	_ =	swait.ge [sflag:s17], $0x4000  }
0x26: {  	[sflag:s17] =	ssyncset.done $0x0  }
0x27: {  	[sflag:s17] =	ssyncadd.s32 $0xFFFFC000  }
0x28: {  	_ =	swait.ge [sflag:s17], $0x4000  }
0x29: {  	[sflag:s17] =	ssyncset.done $0x0  }
0x2a: {  	[sflag:s17] =	ssyncadd.s32 $0xFFFFC000  }
0x2b: {  	[hbm4b:s7+s4] =	stream.linear.scatter [tilespmem:s12], [sflag:$0x2], $0x8000, $0x38;
	[tilespmem:$0xA380] =	vst v63  }
0x2c: {  	_ =	swait.ge [sflag:s10], $0x8000  }
0x2d: {  	[sflag:s10] =	ssyncset.done $0x0  }
0x2e: {  	[sflag:s10] =	ssyncadd.s32 $0xFFFF8000  }
0x2f: {  	v1 =	vld [tilespmem:$0x0];
	_ =	sdelay $0x7  }
0x30: {  	[tilespmem:v1+s14+$0x0] =	vst.idx.add.f32.msk $0x1, v0  }
0x31: {  	[tilespmem:v1+s14+$0x0] =	vst.idx.add.f32.msk vm0, v0  }
0x32: {  	[tilespmem:v1+s14+$0x0] =	vst.idx.add.f32.msk vm1, v0  }
0x33: {  	[tilespmem:v1+s14+$0x0] =	vst.idx.add.f32.msk vm2, v0  }
0x34: {  	[tilespmem:v1+s14+$0x0] =	vst.idx.add.f32.msk vm3, v0  }
0x35: {  	[tilespmem:v1+s14+$0x0] =	vst.idx.add.f32.msk vm4, v0  }
0x36: {  	[tilespmem:v1+s14+$0x0] =	vst.idx.add.f32.msk vm5, v0  }
0x37: {  	[tilespmem:v1+s14+$0x0] =	vst.idx.add.f32.msk vm6, v0  }
0x38: {  	[tilespmem:v1+s14+$0x0] =	vst.idx.add.f32.msk vm7, v0  }
0x39: {  	[tilespmem:v1+s14+$0x0] =	vst.idx.add.f32.msk vm8, v0  }
0x3a: {  	[tilespmem:v1+s14+$0x0] =	vst.idx.add.f32.msk vm9, v0  }
0x3b: {  	[tilespmem:v1+s14+$0x0] =	vst.idx.add.f32.msk vm10, v0  }
0x3c: {  	[tilespmem:v1+s14+$0x0] =	vst.idx.add.f32.msk vm11, v0  }
0x3d: {  	[tilespmem:v1+s14+$0x0] =	vst.idx.add.f32.msk vm12, v0  }
0x3e: {  	[tilespmem:v1+s14+$0x0] =	vst.idx.add.f32.msk vm13, v0  }
0x3f: {  	[tilespmem:v1+s14+$0x0] =	vst.idx.add.f32.msk vm14, v0  }
0x40: {  	v1 =	vld [tilespmem:$0x10];
	_ =	sdelay $0x7  }
0x41: {  	[tilespmem:v1+s14+$0x0] =	vst.idx.add.f32.msk $0x1, v0  }
0x42: {  	[tilespmem:v1+s14+$0x0] =	vst.idx.add.f32.msk vm0, v0  }
0x43: {  	[tilespmem:v1+s14+$0x0] =	vst.idx.add.f32.msk vm1, v0  }
0x44: {  	[tilespmem:v1+s14+$0x0] =	vst.idx.add.f32.msk vm2, v0  }
0x45: {  	[tilespmem:v1+s14+$0x0] =	vst.idx.add.f32.msk vm3, v0  }
0x46: {  	[tilespmem:v1+s14+$0x0] =	vst.idx.add.f32.msk vm4, v0  }
0x47: {  	[tilespmem:v1+s14+$0x0] =	vst.idx.add.f32.msk vm5, v0  }
0x48: {  	[tilespmem:v1+s14+$0x0] =	vst.idx.add.f32.msk vm6, v0  }
0x49: {  	[tilespmem:v1+s14+$0x0] =	vst.idx.add.f32.msk vm7, v0  }
0x4a: {  	[tilespmem:v1+s14+$0x0] =	vst.idx.add.f32.msk vm8, v0  }
0x4b: {  	[tilespmem:v1+s14+$0x0] =	vst.idx.add.f32.msk vm9, v0  }
0x4c: {  	[tilespmem:v1+s14+$0x0] =	vst.idx.add.f32.msk vm10, v0  }
0x4d: {  	[tilespmem:v1+s14+$0x0] =	vst.idx.add.f32.msk vm11, v0  }
0x4e: {  	[tilespmem:v1+s14+$0x0] =	vst.idx.add.f32.msk vm12, v0  }
0x4f: {  	[tilespmem:v1+s14+$0x0] =	vst.idx.add.f32.msk vm13, v0  }
0x50: {  	[tilespmem:v1+s14+$0x0] =	vst.idx.add.f32.msk vm14, v0  }
0x51: {  	v1 =	vld [tilespmem:$0x20];
	_ =	sdelay $0x7  }
0x52: {  	[tilespmem:v1+s14+$0x0] =	vst.idx.add.f32.msk $0x1, v0  }
0x53: {  	[tilespmem:v1+s14+$0x0] =	vst.idx.add.f32.msk vm0, v0  }
0x54: {  	[tilespmem:v1+s14+$0x0] =	vst.idx.add.f32.msk vm1, v0  }
0x55: {  	[tilespmem:v1+s14+$0x0] =	vst.idx.add.f32.msk vm2, v0  }
0x56: {  	[tilespmem:v1+s14+$0x0] =	vst.idx.add.f32.msk vm3, v0  }
0x57: {  	[tilespmem:v1+s14+$0x0] =	vst.idx.add.f32.msk vm4, v0  }
0x58: {  	[tilespmem:v1+s14+$0x0] =	vst.idx.add.f32.msk vm5, v0  }
0x59: {  	[tilespmem:v1+s14+$0x0] =	vst.idx.add.f32.msk vm6, v0  }
0x5a: {  	[tilespmem:v1+s14+$0x0] =	vst.idx.add.f32.msk vm7, v0  }
0x5b: {  	[tilespmem:v1+s14+$0x0] =	vst.idx.add.f32.msk vm8, v0  }
0x5c: {  	[tilespmem:v1+s14+$0x0] =	vst.idx.add.f32.msk vm9, v0  }
0x5d: {  	[tilespmem:v1+s14+$0x0] =	vst.idx.add.f32.msk vm10, v0  }
0x5e: {  	[tilespmem:v1+s14+$0x0] =	vst.idx.add.f32.msk vm11, v0  }
0x5f: {  	[tilespmem:v1+s14+$0x0] =	vst.idx.add.f32.msk vm12, v0  }
0x60: {  	[tilespmem:v1+s14+$0x0] =	vst.idx.add.f32.msk vm13, v0  }
0x61: {  	[tilespmem:v1+s14+$0x0] =	vst.idx.add.f32.msk vm14, v0  }
0x62: {  	v1 =	vld [tilespmem:$0x30];
	_ =	sdelay $0x7  }
0x63: {  	[tilespmem:v1+s14+$0x0] =	vst.idx.add.f32.msk $0x1, v0  }
0x64: {  	[tilespmem:v1+s14+$0x0] =	vst.idx.add.f32.msk vm0, v0  }
0x65: {  	[tilespmem:v1+s14+$0x0] =	vst.idx.add.f32.msk vm1, v0  }
0x66: {  	[tilespmem:v1+s14+$0x0] =	vst.idx.add.f32.msk vm2, v0  }
0x67: {  	[tilespmem:v1+s14+$0x0] =	vst.idx.add.f32.msk vm3, v0  }
0x68: {  	[tilespmem:v1+s14+$0x0] =	vst.idx.add.f32.msk vm4, v0  }
0x69: {  	[tilespmem:v1+s14+$0x0] =	vst.idx.add.f32.msk vm5, v0  }
0x6a: {  	[tilespmem:v1+s14+$0x0] =	vst.idx.add.f32.msk vm6, v0  }
0x6b: {  	[tilespmem:v1+s14+$0x0] =	vst.idx.add.f32.msk vm7, v0  }
0x6c: {  	[tilespmem:v1+s14+$0x0] =	vst.idx.add.f32.msk vm8, v0  }
0x6d: {  	[tilespmem:v1+s14+$0x0] =	vst.idx.add.f32.msk vm9, v0  }
0x6e: {  	[tilespmem:v1+s14+$0x0] =	vst.idx.add.f32.msk vm10, v0  }
0x6f: {  	[tilespmem:v1+s14+$0x0] =	vst.idx.add.f32.msk vm11, v0  }
0x70: {  	[tilespmem:v1+s14+$0x0] =	vst.idx.add.f32.msk vm12, v0  }
0x71: {  	[tilespmem:v1+s14+$0x0] =	vst.idx.add.f32.msk vm13, v0  }
0x72: {  	[tilespmem:v1+s14+$0x0] =	vst.idx.add.f32.msk vm14, v0  }
0x73: {  	v1 =	vld [tilespmem:$0x40];
	_ =	sdelay $0x7  }
0x74: {  	[tilespmem:v1+s14+$0x0] =	vst.idx.add.f32.msk $0x1, v0  }
0x75: {  	[tilespmem:v1+s14+$0x0] =	vst.idx.add.f32.msk vm0, v0  }
0x76: {  	[tilespmem:v1+s14+$0x0] =	vst.idx.add.f32.msk vm1, v0  }
0x77: {  	[tilespmem:v1+s14+$0x0] =	vst.idx.add.f32.msk vm2, v0  }
0x78: {  	[tilespmem:v1+s14+$0x0] =	vst.idx.add.f32.msk vm3, v0  }
0x79: {  	[tilespmem:v1+s14+$0x0] =	vst.idx.add.f32.msk vm4, v0  }
0x7a: {  	[tilespmem:v1+s14+$0x0] =	vst.idx.add.f32.msk vm5, v0  }
0x7b: {  	[tilespmem:v1+s14+$0x0] =	vst.idx.add.f32.msk vm6, v0  }
0x7c: {  	[tilespmem:v1+s14+$0x0] =	vst.idx.add.f32.msk vm7, v0  }
0x7d: {  	[tilespmem:v1+s14+$0x0] =	vst.idx.add.f32.msk vm8, v0  }
0x7e: {  	[tilespmem:v1+s14+$0x0] =	vst.idx.add.f32.msk vm9, v0  }
0x7f: {  	[tilespmem:v1+s14+$0x0] =	vst.idx.add.f32.msk vm10, v0  }
0x80: {  	[tilespmem:v1+s14+$0x0] =	vst.idx.add.f32.msk vm11, v0  }
0x81: {  	[tilespmem:v1+s14+$0x0] =	vst.idx.add.f32.msk vm12, v0  }
0x82: {  	[tilespmem:v1+s14+$0x0] =	vst.idx.add.f32.msk vm13, v0  }
0x83: {  	[tilespmem:v1+s14+$0x0] =	vst.idx.add.f32.msk vm14, v0  }
0x84: {  	v1 =	vld [tilespmem:$0x50];
	_ =	sdelay $0x7  }
0x85: {  	[tilespmem:v1+s14+$0x0] =	vst.idx.add.f32.msk $0x1, v0  }
0x86: {  	[tilespmem:v1+s14+$0x0] =	vst.idx.add.f32.msk vm0, v0  }
0x87: {  	[tilespmem:v1+s14+$0x0] =	vst.idx.add.f32.msk vm1, v0  }
0x88: {  	[tilespmem:v1+s14+$0x0] =	vst.idx.add.f32.msk vm2, v0  }
0x89: {  	[tilespmem:v1+s14+$0x0] =	vst.idx.add.f32.msk vm3, v0  }
0x8a: {  	[tilespmem:v1+s14+$0x0] =	vst.idx.add.f32.msk vm4, v0  }
0x8b: {  	[tilespmem:v1+s14+$0x0] =	vst.idx.add.f32.msk vm5, v0  }
0x8c: {  	[tilespmem:v1+s14+$0x0] =	vst.idx.add.f32.msk vm6, v0  }
0x8d: {  	[tilespmem:v1+s14+$0x0] =	vst.idx.add.f32.msk vm7, v0  }
0x8e: {  	[tilespmem:v1+s14+$0x0] =	vst.idx.add.f32.msk vm8, v0  }
0x8f: {  	[tilespmem:v1+s14+$0x0] =	vst.idx.add.f32.msk vm9, v0  }
0x90: {  	[tilespmem:v1+s14+$0x0] =	vst.idx.add.f32.msk vm10, v0  }
0x91: {  	[tilespmem:v1+s14+$0x0] =	vst.idx.add.f32.msk vm11, v0  }
0x92: {  	[tilespmem:v1+s14+$0x0] =	vst.idx.add.f32.msk vm12, v0  }
0x93: {  	[tilespmem:v1+s14+$0x0] =	vst.idx.add.f32.msk vm13, v0  }
0x94: {  	[tilespmem:v1+s14+$0x0] =	vst.idx.add.f32.msk vm14, v0  }
0x95: {  	v1 =	vld [tilespmem:$0x60];
	_ =	sdelay $0x7  }
0x96: {  	[tilespmem:v1+s14+$0x0] =	vst.idx.add.f32.msk $0x1, v0  }
0x97: {  	[tilespmem:v1+s14+$0x0] =	vst.idx.add.f32.msk vm0, v0  }
0x98: {  	[tilespmem:v1+s14+$0x0] =	vst.idx.add.f32.msk vm1, v0  }
0x99: {  	[tilespmem:v1+s14+$0x0] =	vst.idx.add.f32.msk vm2, v0  }
0x9a: {  	[tilespmem:v1+s14+$0x0] =	vst.idx.add.f32.msk vm3, v0  }
0x9b: {  	[tilespmem:v1+s14+$0x0] =	vst.idx.add.f32.msk vm4, v0  }
0x9c: {  	[tilespmem:v1+s14+$0x0] =	vst.idx.add.f32.msk vm5, v0  }
0x9d: {  	[tilespmem:v1+s14+$0x0] =	vst.idx.add.f32.msk vm6, v0  }
0x9e: {  	[tilespmem:v1+s14+$0x0] =	vst.idx.add.f32.msk vm7, v0  }
0x9f: {  	[tilespmem:v1+s14+$0x0] =	vst.idx.add.f32.msk vm8, v0  }
0xa0: {  	[tilespmem:v1+s14+$0x0] =	vst.idx.add.f32.msk vm9, v0  }
0xa1: {  	[tilespmem:v1+s14+$0x0] =	vst.idx.add.f32.msk vm10, v0  }
0xa2: {  	[tilespmem:v1+s14+$0x0] =	vst.idx.add.f32.msk vm11, v0  }
0xa3: {  	[tilespmem:v1+s14+$0x0] =	vst.idx.add.f32.msk vm12, v0  }
0xa4: {  	[tilespmem:v1+s14+$0x0] =	vst.idx.add.f32.msk vm13, v0  }
0xa5: {  	[tilespmem:v1+s14+$0x0] =	vst.idx.add.f32.msk vm14, v0  }
0xa6: {  	v1 =	vld [tilespmem:$0x70];
	_ =	sdelay $0x7  }
0xa7: {  	[tilespmem:v1+s14+$0x0] =	vst.idx.add.f32.msk $0x1, v0  }
0xa8: {  	[tilespmem:v1+s14+$0x0] =	vst.idx.add.f32.msk vm0, v0  }
0xa9: {  	[tilespmem:v1+s14+$0x0] =	vst.idx.add.f32.msk vm1, v0  }
0xaa: {  	[tilespmem:v1+s14+$0x0] =	vst.idx.add.f32.msk vm2, v0  }
0xab: {  	[tilespmem:v1+s14+$0x0] =	vst.idx.add.f32.msk vm3, v0  }
0xac: {  	[tilespmem:v1+s14+$0x0] =	vst.idx.add.f32.msk vm4, v0  }
0xad: {  	[tilespmem:v1+s14+$0x0] =	vst.idx.add.f32.msk vm5, v0  }
0xae: {  	[tilespmem:v1+s14+$0x0] =	vst.idx.add.f32.msk vm6, v0  }
0xaf: {  	[tilespmem:v1+s14+$0x0] =	vst.idx.add.f32.msk vm7, v0  }
0xb0: {  	[tilespmem:v1+s14+$0x0] =	vst.idx.add.f32.msk vm8, v0  }
0xb1: {  	[tilespmem:v1+s14+$0x0] =	vst.idx.add.f32.msk vm9, v0  }
0xb2: {  	[tilespmem:v1+s14+$0x0] =	vst.idx.add.f32.msk vm10, v0  }
0xb3: {  	[tilespmem:v1+s14+$0x0] =	vst.idx.add.f32.msk vm11, v0  }
0xb4: {  	[tilespmem:v1+s14+$0x0] =	vst.idx.add.f32.msk vm12, v0  }
0xb5: {  	[tilespmem:v1+s14+$0x0] =	vst.idx.add.f32.msk vm13, v0  }
0xb6: {  	[tilespmem:v1+s14+$0x0] =	vst.idx.add.f32.msk vm14, v0  }
0xb7: {  	v1 =	vld [tilespmem:$0x80];
	_ =	sdelay $0x7  }
0xb8: {  	[tilespmem:v1+s14+$0x0] =	vst.idx.add.f32.msk $0x1, v0  }
0xb9: {  	[tilespmem:v1+s14+$0x0] =	vst.idx.add.f32.msk vm0, v0  }
0xba: {  	[tilespmem:v1+s14+$0x0] =	vst.idx.add.f32.msk vm1, v0  }
0xbb: {  	[tilespmem:v1+s14+$0x0] =	vst.idx.add.f32.msk vm2, v0  }
0xbc: {  	[tilespmem:v1+s14+$0x0] =	vst.idx.add.f32.msk vm3, v0  }
0xbd: {  	[tilespmem:v1+s14+$0x0] =	vst.idx.add.f32.msk vm4, v0  }
0xbe: {  	[tilespmem:v1+s14+$0x0] =	vst.idx.add.f32.msk vm5, v0  }
0xbf: {  	[tilespmem:v1+s14+$0x0] =	vst.idx.add.f32.msk vm6, v0  }
0xc0: {  	[tilespmem:v1+s14+$0x0] =	vst.idx.add.f32.msk vm7, v0  }
0xc1: {  	[tilespmem:v1+s14+$0x0] =	vst.idx.add.f32.msk vm8, v0  }
0xc2: {  	[tilespmem:v1+s14+$0x0] =	vst.idx.add.f32.msk vm9, v0  }
0xc3: {  	[tilespmem:v1+s14+$0x0] =	vst.idx.add.f32.msk vm10, v0  }
0xc4: {  	[tilespmem:v1+s14+$0x0] =	vst.idx.add.f32.msk vm11, v0  }
0xc5: {  	[tilespmem:v1+s14+$0x0] =	vst.idx.add.f32.msk vm12, v0  }
0xc6: {  	[tilespmem:v1+s14+$0x0] =	vst.idx.add.f32.msk vm13, v0  }
0xc7: {  	[tilespmem:v1+s14+$0x0] =	vst.idx.add.f32.msk vm14, v0  }
0xc8: {  	v1 =	vld [tilespmem:$0x90];
	_ =	sdelay $0x7  }
0xc9: {  	[tilespmem:v1+s14+$0x0] =	vst.idx.add.f32.msk $0x1, v0  }
0xca: {  	[tilespmem:v1+s14+$0x0] =	vst.idx.add.f32.msk vm0, v0  }
0xcb: {  	[tilespmem:v1+s14+$0x0] =	vst.idx.add.f32.msk vm1, v0  }
0xcc: {  	[tilespmem:v1+s14+$0x0] =	vst.idx.add.f32.msk vm2, v0  }
0xcd: {  	[tilespmem:v1+s14+$0x0] =	vst.idx.add.f32.msk vm3, v0  }
0xce: {  	[tilespmem:v1+s14+$0x0] =	vst.idx.add.f32.msk vm4, v0  }
0xcf: {  	[tilespmem:v1+s14+$0x0] =	vst.idx.add.f32.msk vm5, v0  }
0xd0: {  	[tilespmem:v1+s14+$0x0] =	vst.idx.add.f32.msk vm6, v0  }
0xd1: {  	[tilespmem:v1+s14+$0x0] =	vst.idx.add.f32.msk vm7, v0  }
0xd2: {  	[tilespmem:v1+s14+$0x0] =	vst.idx.add.f32.msk vm8, v0  }
0xd3: {  	[tilespmem:v1+s14+$0x0] =	vst.idx.add.f32.msk vm9, v0  }
0xd4: {  	[tilespmem:v1+s14+$0x0] =	vst.idx.add.f32.msk vm10, v0  }
0xd5: {  	[tilespmem:v1+s14+$0x0] =	vst.idx.add.f32.msk vm11, v0  }
0xd6: {  	[tilespmem:v1+s14+$0x0] =	vst.idx.add.f32.msk vm12, v0  }
0xd7: {  	[tilespmem:v1+s14+$0x0] =	vst.idx.add.f32.msk vm13, v0  }
0xd8: {  	[tilespmem:v1+s14+$0x0] =	vst.idx.add.f32.msk vm14, v0  }
0xd9: {  	v1 =	vld [tilespmem:$0xA0];
	_ =	sdelay $0x7  }
0xda: {  	[tilespmem:v1+s14+$0x0] =	vst.idx.add.f32.msk $0x1, v0  }
0xdb: {  	[tilespmem:v1+s14+$0x0] =	vst.idx.add.f32.msk vm0, v0  }
0xdc: {  	[tilespmem:v1+s14+$0x0] =	vst.idx.add.f32.msk vm1, v0  }
0xdd: {  	[tilespmem:v1+s14+$0x0] =	vst.idx.add.f32.msk vm2, v0  }
0xde: {  	[tilespmem:v1+s14+$0x0] =	vst.idx.add.f32.msk vm3, v0  }
0xdf: {  	[tilespmem:v1+s14+$0x0] =	vst.idx.add.f32.msk vm4, v0  }
0xe0: {  	[tilespmem:v1+s14+$0x0] =	vst.idx.add.f32.msk vm5, v0  }
0xe1: {  	[tilespmem:v1+s14+$0x0] =	vst.idx.add.f32.msk vm6, v0  }
0xe2: {  	[tilespmem:v1+s14+$0x0] =	vst.idx.add.f32.msk vm7, v0  }
0xe3: {  	[tilespmem:v1+s14+$0x0] =	vst.idx.add.f32.msk vm8, v0  }
0xe4: {  	[tilespmem:v1+s14+$0x0] =	vst.idx.add.f32.msk vm9, v0  }
0xe5: {  	[tilespmem:v1+s14+$0x0] =	vst.idx.add.f32.msk vm10, v0  }
0xe6: {  	[tilespmem:v1+s14+$0x0] =	vst.idx.add.f32.msk vm11, v0  }
0xe7: {  	[tilespmem:v1+s14+$0x0] =	vst.idx.add.f32.msk vm12, v0  }
0xe8: {  	[tilespmem:v1+s14+$0x0] =	vst.idx.add.f32.msk vm13, v0  }
0xe9: {  	[tilespmem:v1+s14+$0x0] =	vst.idx.add.f32.msk vm14, v0  }
0xea: {  	v1 =	vld [tilespmem:$0xB0];
	_ =	sdelay $0x7  }
0xeb: {  	[tilespmem:v1+s14+$0x0] =	vst.idx.add.f32.msk $0x1, v0  }
0xec: {  	[tilespmem:v1+s14+$0x0] =	vst.idx.add.f32.msk vm0, v0  }
0xed: {  	[tilespmem:v1+s14+$0x0] =	vst.idx.add.f32.msk vm1, v0  }
0xee: {  	[tilespmem:v1+s14+$0x0] =	vst.idx.add.f32.msk vm2, v0  }
0xef: {  	[tilespmem:v1+s14+$0x0] =	vst.idx.add.f32.msk vm3, v0  }
0xf0: {  	[tilespmem:v1+s14+$0x0] =	vst.idx.add.f32.msk vm4, v0  }
0xf1: {  	[tilespmem:v1+s14+$0x0] =	vst.idx.add.f32.msk vm5, v0  }
0xf2: {  	[tilespmem:v1+s14+$0x0] =	vst.idx.add.f32.msk vm6, v0  }
0xf3: {  	[tilespmem:v1+s14+$0x0] =	vst.idx.add.f32.msk vm7, v0  }
0xf4: {  	[tilespmem:v1+s14+$0x0] =	vst.idx.add.f32.msk vm8, v0  }
0xf5: {  	[tilespmem:v1+s14+$0x0] =	vst.idx.add.f32.msk vm9, v0  }
0xf6: {  	[tilespmem:v1+s14+$0x0] =	vst.idx.add.f32.msk vm10, v0  }
0xf7: {  	[tilespmem:v1+s14+$0x0] =	vst.idx.add.f32.msk vm11, v0  }
0xf8: {  	[tilespmem:v1+s14+$0x0] =	vst.idx.add.f32.msk vm12, v0  }
0xf9: {  	[tilespmem:v1+s14+$0x0] =	vst.idx.add.f32.msk vm13, v0  }
0xfa: {  	[tilespmem:v1+s14+$0x0] =	vst.idx.add.f32.msk vm14, v0  }
0xfb: {  	v1 =	vld [tilespmem:$0xC0];
	_ =	sdelay $0x7  }
0xfc: {  	[tilespmem:v1+s14+$0x0] =	vst.idx.add.f32.msk $0x1, v0  }
0xfd: {  	[tilespmem:v1+s14+$0x0] =	vst.idx.add.f32.msk vm0, v0  }
0xfe: {  	[tilespmem:v1+s14+$0x0] =	vst.idx.add.f32.msk vm1, v0  }
0xff: {  	[tilespmem:v1+s14+$0x0] =	vst.idx.add.f32.msk vm2, v0  }
0x100: {  	[tilespmem:v1+s14+$0x0] =	vst.idx.add.f32.msk vm3, v0  }
0x101: {  	[tilespmem:v1+s14+$0x0] =	vst.idx.add.f32.msk vm4, v0  }
0x102: {  	[tilespmem:v1+s14+$0x0] =	vst.idx.add.f32.msk vm5, v0  }
0x103: {  	[tilespmem:v1+s14+$0x0] =	vst.idx.add.f32.msk vm6, v0  }
0x104: {  	[tilespmem:v1+s14+$0x0] =	vst.idx.add.f32.msk vm7, v0  }
0x105: {  	[tilespmem:v1+s14+$0x0] =	vst.idx.add.f32.msk vm8, v0  }
0x106: {  	[tilespmem:v1+s14+$0x0] =	vst.idx.add.f32.msk vm9, v0  }
0x107: {  	[tilespmem:v1+s14+$0x0] =	vst.idx.add.f32.msk vm10, v0  }
0x108: {  	[tilespmem:v1+s14+$0x0] =	vst.idx.add.f32.msk vm11, v0  }
0x109: {  	[tilespmem:v1+s14+$0x0] =	vst.idx.add.f32.msk vm12, v0  }
0x10a: {  	[tilespmem:v1+s14+$0x0] =	vst.idx.add.f32.msk vm13, v0  }
0x10b: {  	[tilespmem:v1+s14+$0x0] =	vst.idx.add.f32.msk vm14, v0  }
0x10c: {  	v1 =	vld [tilespmem:$0xD0];
	_ =	sdelay $0x7  }
0x10d: {  	[tilespmem:v1+s14+$0x0] =	vst.idx.add.f32.msk $0x1, v0  }
0x10e: {  	[tilespmem:v1+s14+$0x0] =	vst.idx.add.f32.msk vm0, v0  }
0x10f: {  	[tilespmem:v1+s14+$0x0] =	vst.idx.add.f32.msk vm1, v0  }
0x110: {  	[tilespmem:v1+s14+$0x0] =	vst.idx.add.f32.msk vm2, v0  }
0x111: {  	[tilespmem:v1+s14+$0x0] =	vst.idx.add.f32.msk vm3, v0  }
0x112: {  	[tilespmem:v1+s14+$0x0] =	vst.idx.add.f32.msk vm4, v0  }
0x113: {  	[tilespmem:v1+s14+$0x0] =	vst.idx.add.f32.msk vm5, v0  }
0x114: {  	[tilespmem:v1+s14+$0x0] =	vst.idx.add.f32.msk vm6, v0  }
0x115: {  	[tilespmem:v1+s14+$0x0] =	vst.idx.add.f32.msk vm7, v0  }
0x116: {  	[tilespmem:v1+s14+$0x0] =	vst.idx.add.f32.msk vm8, v0  }
0x117: {  	[tilespmem:v1+s14+$0x0] =	vst.idx.add.f32.msk vm9, v0  }
0x118: {  	[tilespmem:v1+s14+$0x0] =	vst.idx.add.f32.msk vm10, v0  }
0x119: {  	[tilespmem:v1+s14+$0x0] =	vst.idx.add.f32.msk vm11, v0  }
0x11a: {  	[tilespmem:v1+s14+$0x0] =	vst.idx.add.f32.msk vm12, v0  }
0x11b: {  	[tilespmem:v1+s14+$0x0] =	vst.idx.add.f32.msk vm13, v0  }
0x11c: {  	[tilespmem:v1+s14+$0x0] =	vst.idx.add.f32.msk vm14, v0  }
0x11d: {  	v1 =	vld [tilespmem:$0xE0];
	_ =	sdelay $0x7  }
0x11e: {  	[tilespmem:v1+s14+$0x0] =	vst.idx.add.f32.msk $0x1, v0  }
0x11f: {  	[tilespmem:v1+s14+$0x0] =	vst.idx.add.f32.msk vm0, v0  }
0x120: {  	[tilespmem:v1+s14+$0x0] =	vst.idx.add.f32.msk vm1, v0  }
0x121: {  	[tilespmem:v1+s14+$0x0] =	vst.idx.add.f32.msk vm2, v0  }
0x122: {  	[tilespmem:v1+s14+$0x0] =	vst.idx.add.f32.msk vm3, v0  }
0x123: {  	[tilespmem:v1+s14+$0x0] =	vst.idx.add.f32.msk vm4, v0  }
0x124: {  	[tilespmem:v1+s14+$0x0] =	vst.idx.add.f32.msk vm5, v0  }
0x125: {  	[tilespmem:v1+s14+$0x0] =	vst.idx.add.f32.msk vm6, v0  }
0x126: {  	[tilespmem:v1+s14+$0x0] =	vst.idx.add.f32.msk vm7, v0  }
0x127: {  	[tilespmem:v1+s14+$0x0] =	vst.idx.add.f32.msk vm8, v0  }
0x128: {  	[tilespmem:v1+s14+$0x0] =	vst.idx.add.f32.msk vm9, v0  }
0x129: {  	[tilespmem:v1+s14+$0x0] =	vst.idx.add.f32.msk vm10, v0  }
0x12a: {  	[tilespmem:v1+s14+$0x0] =	vst.idx.add.f32.msk vm11, v0  }
0x12b: {  	[tilespmem:v1+s14+$0x0] =	vst.idx.add.f32.msk vm12, v0  }
0x12c: {  	[tilespmem:v1+s14+$0x0] =	vst.idx.add.f32.msk vm13, v0  }
0x12d: {  	[tilespmem:v1+s14+$0x0] =	vst.idx.add.f32.msk vm14, v0  }
0x12e: {  	v1 =	vld [tilespmem:$0xF0];
	_ =	sdelay $0x7  }
0x12f: {  	[tilespmem:v1+s14+$0x0] =	vst.idx.add.f32.msk $0x1, v0  }
0x130: {  	[tilespmem:v1+s14+$0x0] =	vst.idx.add.f32.msk vm0, v0  }
0x131: {  	[tilespmem:v1+s14+$0x0] =	vst.idx.add.f32.msk vm1, v0  }
0x132: {  	[tilespmem:v1+s14+$0x0] =	vst.idx.add.f32.msk vm2, v0  }
0x133: {  	[tilespmem:v1+s14+$0x0] =	vst.idx.add.f32.msk vm3, v0  }
0x134: {  	[tilespmem:v1+s14+$0x0] =	vst.idx.add.f32.msk vm4, v0  }
0x135: {  	[tilespmem:v1+s14+$0x0] =	vst.idx.add.f32.msk vm5, v0  }
0x136: {  	[tilespmem:v1+s14+$0x0] =	vst.idx.add.f32.msk vm6, v0  }
0x137: {  	[tilespmem:v1+s14+$0x0] =	vst.idx.add.f32.msk vm7, v0  }
0x138: {  	[tilespmem:v1+s14+$0x0] =	vst.idx.add.f32.msk vm8, v0  }
0x139: {  	[tilespmem:v1+s14+$0x0] =	vst.idx.add.f32.msk vm9, v0  }
0x13a: {  	[tilespmem:v1+s14+$0x0] =	vst.idx.add.f32.msk vm10, v0  }
0x13b: {  	[tilespmem:v1+s14+$0x0] =	vst.idx.add.f32.msk vm11, v0  }
0x13c: {  	[tilespmem:v1+s14+$0x0] =	vst.idx.add.f32.msk vm12, v0  }
0x13d: {  	[tilespmem:v1+s14+$0x0] =	vst.idx.add.f32.msk vm13, v0  }
0x13e: {  	[tilespmem:v1+s14+$0x0] =	vst.idx.add.f32.msk vm14, v0  }
0x13f: {  	[bflag:$0x0] =	sbarrier.arrive $0xFFFF  }
0x140: {  	[spmem:s3] =	stream.indirect.scatter.add.f32 [tilespmem:s14], [sflag:$0x2], $0x80, s15, s18, $0xb8;
	[tilespmem:$0xA380] =	vst v63  }
0x141: {  	_ =	swait.ge [sflag:s10], $0x2000  }
0x142: {  	s9 =	sadd.s32 $0xFFFFFFFF, s9;
	[sflag:s10] =	ssyncset.done $0x0  }
0x143: {  	p1 =	sne.s32 s9, $0x0;
	[sflag:s10] =	ssyncadd.s32 $0xFFFFE000  }
.Ltmp0:
0x144: {  	[bflag:$0x0] =	sbarrier.arrive $0xFFFF;
	(pc) =	sbr.rel @p1 .LBB2_1-.Ltmp0, $4  }
0x145: {  	[hbm:s8], [sflag:s20] =	dma.local @!p0 [spmem:s16], $0x400  }
0x146: {  	_ =	swait.ge @!p0 [sflag:s19], $0x400  }
0x147: {  	[sflag:s19] =	ssyncset.done @!p0 $0x0  }
0x148: {  	[sflag:s19] =	ssyncadd.s32 @!p0 $0xFFFFFC00  }
0x149: {  	_ =	sfence.sel $0x180000  }
0x14a: {  	[bflag:$0x0] =	sbarrier.arrive $0xFFFF  }
0x14b: {  	_ =	strace $0x90000047  }
0x14c: {  	s0 =	sadd.s32 @!p0 $0x100000, s0;
	[bflag:$0x2] =	sbarrier.arrive $0xFFFF  }
0x14d: {  	[sflag:s0] =	ssyncadd.tile.s32 @!p0 $0x1;
	_ =	shalt  }
.Lfunc_end2:
_tile_overlayer_lowered:
.L_overlay_start_2:
0x14e: {  	(tag) =	ssettag $0x2  }
0x14f: {  	s0 =	rddreg [dreg:$0x0];
	s2 =	stileid.u32  }
0x150: {  	s1 =	rddreg [dreg:$0x1];
	p0 =	sne.s32 s2, $0x0  }
0x151: {  	s3 =	rddreg [dreg:$0x2];
	[bflag:$0x3] =	sbarrier.arrive $0xFFFF;
	s2 =	simm.s32 @!p0 $0x1C02  }
0x152: {  	[timem:s3], [sflag:s2] =	dma.local @!p0 [hbm:s0], s1  }
0x153: {  	s0 =	simm.s32 @!p0 $0x2  }
0x154: {  	_ =	swait.ge @!p0 [sflag:s0], s1  }
0x155: {  	s1 =	ssub.s32 @!p0 $0x0, s1;
	[sflag:s0] =	ssyncset.done @!p0 $0x0  }
0x156: {  	[sflag:s0] =	ssyncadd.s32 @!p0 s1  }
0x157: {  	[bflag:$0x3] =	sbarrier.arrive $0xFFFF  }
0x158: {  	_ =	shalt  }

</sc_bundles>
